<compile_context>
chip_gen: v7x
topology: tpu7x:2x2x1
jax: 0.10.2.dev20260603
libtpu: 0.0.44.dev20260713+nightly
codegen_flags: <defaults>
</compile_context>

<pallas_src>
import functools

import jax
import jax.numpy as jnp
from jax import lax
from jax.experimental import pallas as pl
from jax.experimental.pallas import tpu as pltpu
from jax.experimental.pallas import tpu_sc as plsc

_K = 8192
_D = 32
_B = 16
_N = 1024
_KT = 1024


_CHUNKS = ((0, 2816), (2816, 2816), (5632, 2560))
_MT = 512


def _tiles(start, size):
    s = start
    while s < start + size:
        mt = min(_MT, start + size - s)
        yield s, mt
        s += mt


def _nearest_code_kernel(w2x_ref, x_ref, x2_ref, w2_ref, idx_ref):
    x = x_ref[0]
    x2 = x2_ref[0]
    x_bf = x.astype(jnp.bfloat16)
    run_min = jnp.full((1, _N), jnp.inf, dtype=jnp.float32)
    run_arg = jnp.zeros((1, _N), dtype=jnp.int32)
    for start, size in _CHUNKS:
        cm = jnp.full((1, _N), jnp.inf, dtype=jnp.float32)
        ci = jnp.zeros((1, _N), dtype=jnp.int32)
        for s, mt in _tiles(start, size):
            wt = w2x_ref[s:s + mt, :].astype(jnp.bfloat16)
            w2t = w2_ref[s:s + mt, :]
            cross2 = jnp.dot(wt, x_bf,
                             preferred_element_type=jnp.float32)
            d2 = (x2 + w2t) - cross2
            dist = jnp.sqrt(jnp.maximum(d2, 0.0))
            tmin = jnp.min(dist, axis=0, keepdims=True)
            kio = lax.broadcasted_iota(jnp.int32, (mt, _N), 0) + s
            targ = jnp.min(jnp.where(dist == tmin, kio, jnp.int32(2**30)),
                           axis=0, keepdims=True)
            better = tmin < cm
            ci = jnp.where(better, targ, ci)
            cm = jnp.where(better, tmin, cm)
        take = cm < run_min
        run_arg = jnp.where(take, ci, run_arg)
        run_min = jnp.where(take, cm, run_min)
        run_min = run_min.astype(jnp.bfloat16).astype(jnp.float32)
    idx_ref[0] = run_arg


def _nearest_codes(emb_weight, latents, x2, w2):
    return pl.pallas_call(
        _nearest_code_kernel,
        grid=(_B,),
        in_specs=[
            pl.BlockSpec((_K, _D), lambda b: (0, 0)),
            pl.BlockSpec((1, _D, _N), lambda b: (b, 0, 0)),
            pl.BlockSpec((1, 1, _N), lambda b: (b, 0, 0)),
            pl.BlockSpec((_K, 1), lambda b: (0, 0)),
        ],
        out_specs=pl.BlockSpec((1, 1, _N), lambda b: (b, 0, 0)),
        out_shape=jax.ShapeDtypeStruct((_B, 1, _N), jnp.int32),
    )(emb_weight, latents, x2, w2)


_NC = 2
_NS = 16
_NW = _NC * _NS
_BN = _B * _N
_PER_W = _BN // _NW


@functools.cache
def _sc_gather_fn():
    @functools.partial(
        pl.kernel,
        out_type=jax.ShapeDtypeStruct((_BN, _D), jnp.float32),
        mesh=plsc.VectorSubcoreMesh(core_axis_name="c", subcore_axis_name="s"),
        scratch_types=[
            pltpu.VMEM((_PER_W,), jnp.int32),
            pltpu.VMEM((_PER_W, _D), jnp.float32),
            pltpu.SemaphoreType.DMA,
        ],
        compiler_params=pltpu.CompilerParams(use_tc_tiling_on_sc=False),
    )
    def _sc_gather(table_hbm, idx_hbm, out_hbm, idx_v, rows_v, sem):
        wid = lax.axis_index("s") * _NC + lax.axis_index("c")
        base = wid * _PER_W
        pltpu.sync_copy(idx_hbm.at[pl.ds(base, _PER_W)], idx_v)
        pltpu.async_copy(table_hbm.at[idx_v], rows_v, sem).wait()
        pltpu.sync_copy(rows_v, out_hbm.at[pl.ds(base, _PER_W)])

    return _sc_gather


def kernel(latents, emb_weight):
    x = jnp.transpose(latents, (0, 2, 1))
    x2 = jnp.sum(x * x, axis=-1).reshape(_B, 1, _N)
    w2 = jnp.sum(emb_weight * emb_weight, axis=-1).reshape(_K, 1)
    idx = _nearest_codes(2.0 * emb_weight, latents, x2, w2)
    rows = _sc_gather_fn()(emb_weight, idx.reshape(_BN))
    return jnp.transpose(rows.reshape(_B, _N, _D), (0, 2, 1))

# --- scband reference (transcript-rebuilt; emitter-appended) ---
"""Pipeline reference for scband-vector-quantizer-19181323944129 (READ-ONLY COPY).

The authoritative reference and input builder live on the scoring server;
editing this copy changes nothing except your own understanding.
"""

import jax, jax.numpy as jnp
import numpy as np

K = 8192
D = 32
B = 16
N = 1024

def setup_inputs(seed: int = 0) -> dict:
    key = jax.random.key(seed)
    k1, k2 = jax.random.split(key)
    latents = jax.random.normal(k1, (B, D, N), dtype=jnp.float32)
    emb_weight = jax.random.uniform(k2, (K, D), dtype=jnp.float32, minval=-1.0 / K, maxval=1.0 / K)
    return {"latents": latents, "emb_weight": emb_weight}

def reference(latents, emb_weight):
    # latents: [B, D, N] -> transpose(1,2) -> [B, N, D]
    x = jnp.transpose(latents, (0, 2, 1))
    # torch.cdist(x, w, p=2): pairwise euclidean distances [B, N, K]
    x2 = jnp.sum(x * x, axis=-1, keepdims=True)            # [B, N, 1]
    w2 = jnp.sum(emb_weight * emb_weight, axis=-1)          # [K]
    cross = jnp.einsum('bnd,kd->bnk', x, emb_weight)        # [B, N, K]
    dist2 = x2 + w2[None, None, :] - 2.0 * cross
    dist = jnp.sqrt(jnp.maximum(dist2, 0.0))
    encoding_inds = jnp.argmin(dist, axis=-1)               # [B, N] int
    quantized = jnp.take(emb_weight, encoding_inds, axis=0) # [B, N, D] gather
    return jnp.transpose(quantized, (0, 2, 1))              # [B, D, N]

if __name__ == "__main__":
    import jax
    _d = setup_inputs()
    print(jax.jit(kernel)(*tuple(_d.values())))

</pallas_src>

<mosaic_0001>
#map = affine_map<(d0, d1) -> (0, 0)>
#map1 = affine_map<(d0, d1) -> (0)>
module attributes {stable_mosaic.version = 14 : i64} {
  func.func @_sc_gather(%arg0: i32, %arg1: i32, %arg2: memref<8192x32xf32, #tpu.memory_space<hbm>>, %arg3: memref<16384xi32, #tpu.memory_space<hbm>>, %arg4: memref<16384x32xf32, #tpu.memory_space<hbm>>, %arg5: memref<512xi32, #tpu.memory_space<vmem>>, %arg6: memref<512x32xf32, #tpu.memory_space<vmem>>, %arg7: memref<!tpu.dma_semaphore, #tpu.memory_space<semaphore_mem>>) attributes {dimension_semantics = [#tpu.dimension_semantics<core_parallel>, #tpu.dimension_semantics<subcore_parallel>], iteration_bounds = array<i64: 2, 16>, scalar_prefetch = 0 : i64, scratch_operands = 3 : i64, tpu.core_type = #tpu.core_type<sc_vector_subcore>, window_params = [{transform_indices = #map}, {transform_indices = #map1}, {transform_indices = #map}]} {
    %mul3A = arith.constant 2 : i32
    %mul3A_0 = arith.muli %arg1, %mul3A : i32
    %add3A = arith.addi %mul3A_0, %arg0 : i32
    %mul3A_1 = arith.constant 512 : i32
    %mul3A_2 = arith.muli %add3A, %mul3A_1 : i32
    "tpu.region"() ({
      %run_scoped3A = tpu.sem_alloc : memref<!tpu.dma_semaphore, #tpu.memory_space<semaphore_mem>>
      %dma_start3A_7 = tpu.memref_slice %arg3[%mul3A_2] : memref<16384xi32, #tpu.memory_space<hbm>> -> memref<512xi32, #tpu.memory_space<hbm>>
      %dma_start3A_8 = tpu.memref_slice %arg3[%mul3A_2] : memref<16384xi32, #tpu.memory_space<hbm>> -> memref<512xi32, #tpu.memory_space<hbm>>
      tpu.enqueue_dma source(%dma_start3A_8 : memref<512xi32, #tpu.memory_space<hbm>>) target(%arg5 : memref<512xi32, #tpu.memory_space<vmem>>) target_semaphore(%run_scoped3A : memref<!tpu.dma_semaphore, #tpu.memory_space<semaphore_mem>>)
      %dma_wait3A_9 = tpu.memref_slice %arg3[%mul3A_2] : memref<16384xi32, #tpu.memory_space<hbm>> -> memref<512xi32, #tpu.memory_space<hbm>>
      %dma_wait3A_10 = tpu.memref_slice %arg3[%mul3A_2] : memref<16384xi32, #tpu.memory_space<hbm>> -> memref<512xi32, #tpu.memory_space<hbm>>
      tpu.wait_dma2 semaphore(%run_scoped3A : memref<!tpu.dma_semaphore, #tpu.memory_space<semaphore_mem>>) src(%dma_wait3A_10 : memref<512xi32, #tpu.memory_space<hbm>>) dst(%arg5 : memref<512xi32, #tpu.memory_space<vmem>>)
      tpu.yield
    }) : () -> ()
    %dma_start3A = arith.constant 0 : i32
    %dma_start3A_3 = arith.constant 0 : i32
    %dma_start3A_4 = tpu.memref_slice %arg2[%dma_start3A, %dma_start3A_3] : memref<8192x32xf32, #tpu.memory_space<hbm>> -> memref<8192x32xf32, #tpu.memory_space<hbm>>
    tpu.enqueue_indirect_dma source(%dma_start3A_4 : memref<8192x32xf32, #tpu.memory_space<hbm>>) target(%arg6 : memref<512x32xf32, #tpu.memory_space<vmem>>) offsets(%arg5 : memref<512xi32, #tpu.memory_space<vmem>>) semaphore(%arg7 : memref<!tpu.dma_semaphore, #tpu.memory_space<semaphore_mem>>)
    %dma_wait3A = arith.constant 0 : i32
    %dma_wait3A_5 = arith.constant 0 : i32
    %dma_wait3A_6 = tpu.memref_slice %arg2[%dma_wait3A, %dma_wait3A_5] : memref<8192x32xf32, #tpu.memory_space<hbm>> -> memref<8192x32xf32, #tpu.memory_space<hbm>>
    tpu.wait_indirect_dma semaphore(%arg7 : memref<!tpu.dma_semaphore, #tpu.memory_space<semaphore_mem>>) src(%dma_wait3A_6 : memref<8192x32xf32, #tpu.memory_space<hbm>>) dst(%arg6 : memref<512x32xf32, #tpu.memory_space<vmem>>)
    "tpu.region"() ({
      %run_scoped3A = tpu.sem_alloc : memref<!tpu.dma_semaphore, #tpu.memory_space<semaphore_mem>>
      %dma_start3A_7 = arith.constant 0 : i32
      %dma_start3A_8 = tpu.memref_slice %arg4[%mul3A_2, %dma_start3A_7] : memref<16384x32xf32, #tpu.memory_space<hbm>> -> memref<512x32xf32, #tpu.memory_space<hbm>>
      %dma_start3A_9 = arith.constant 0 : i32
      %dma_start3A_10 = tpu.memref_slice %arg4[%mul3A_2, %dma_start3A_9] : memref<16384x32xf32, #tpu.memory_space<hbm>> -> memref<512x32xf32, #tpu.memory_space<hbm>>
      tpu.enqueue_dma source(%arg6 : memref<512x32xf32, #tpu.memory_space<vmem>>) target(%dma_start3A_10 : memref<512x32xf32, #tpu.memory_space<hbm>>) target_semaphore(%run_scoped3A : memref<!tpu.dma_semaphore, #tpu.memory_space<semaphore_mem>>)
      %dma_wait3A_11 = arith.constant 0 : i32
      %dma_wait3A_12 = tpu.memref_slice %arg4[%mul3A_2, %dma_wait3A_11] : memref<16384x32xf32, #tpu.memory_space<hbm>> -> memref<512x32xf32, #tpu.memory_space<hbm>>
      %dma_wait3A_13 = arith.constant 0 : i32
      %dma_wait3A_14 = tpu.memref_slice %arg4[%mul3A_2, %dma_wait3A_13] : memref<16384x32xf32, #tpu.memory_space<hbm>> -> memref<512x32xf32, #tpu.memory_space<hbm>>
      tpu.wait_dma2 semaphore(%run_scoped3A : memref<!tpu.dma_semaphore, #tpu.memory_space<semaphore_mem>>) src(%arg6 : memref<512x32xf32, #tpu.memory_space<vmem>>) dst(%dma_wait3A_14 : memref<512x32xf32, #tpu.memory_space<hbm>>)
      tpu.yield
    }) : () -> ()
    return
  }
}

module attributes {stable_mosaic.version = 14 : i64} {
  func.func @_nearest_code_kernel(%arg0: i32, %arg1: memref<8192x32xf32, #tpu.memory_space<vmem>>, %arg2: memref<1x32x1024xf32, #tpu.memory_space<vmem>>, %arg3: memref<1x1x1024xf32, #tpu.memory_space<vmem>>, %arg4: memref<8192x1xf32, #tpu.memory_space<vmem>>, %arg5: memref<1x1x1024xi32, #tpu.memory_space<vmem>>) attributes {dimension_semantics = [#tpu.dimension_semantics<arbitrary>], iteration_bounds = array<i64: 16>, scalar_prefetch = 0 : i64, scratch_operands = 0 : i64, tpu.core_type = #tpu.core_type<tc>, window_params = [{pipeline_mode = #tpu.pipeline_mode<synchronous>, transform_indices = @transform_0, window_bounds = array<i64: 8192, 32>}, {transform_indices = @transform_1, window_bounds = array<i64: 1, 32, 1024>}, {transform_indices = @transform_2, window_bounds = array<i64: 1, 1, 1024>}, {pipeline_mode = #tpu.pipeline_mode<synchronous>, transform_indices = @transform_3, window_bounds = array<i64: 8192, 1>}, {transform_indices = @transform_4, window_bounds = array<i64: 1, 1, 1024>}]} {
    %get3A = arith.constant 0 : index
    %get3A_0 = arith.constant 0 : index
    %get3A_1 = arith.constant 0 : index
    %get3A_2 = vector.load %arg2[%get3A, %get3A_0, %get3A_1] : memref<1x32x1024xf32, #tpu.memory_space<vmem>>, vector<1x32x1024xf32>
    %get3A_3 = vector.shape_cast %get3A_2 : vector<1x32x1024xf32> to vector<32x1024xf32>
    %get3A_4 = arith.constant 0 : index
    %get3A_5 = arith.constant 0 : index
    %get3A_6 = arith.constant 0 : index
    %get3A_7 = vector.load %arg3[%get3A_4, %get3A_5, %get3A_6] : memref<1x1x1024xf32, #tpu.memory_space<vmem>>, vector<1x1x1024xf32>
    %get3A_8 = vector.shape_cast %get3A_7 : vector<1x1x1024xf32> to vector<1x1024xf32>
    %convert_element_type3A = arith.truncf %get3A_3 : vector<32x1024xf32> to vector<32x1024xbf16>
    %broadcast_in_dim3A = arith.constant 0x7F800000 : f32
    %broadcast_in_dim3A_9 = vector.broadcast %broadcast_in_dim3A : f32 to vector<1x1024xf32>
    %broadcast_in_dim3A_10 = arith.constant 0 : i32
    %broadcast_in_dim3A_11 = vector.broadcast %broadcast_in_dim3A_10 : i32 to vector<1x1024xi32>
    %broadcast_in_dim3A_12 = arith.constant 0x7F800000 : f32
    %broadcast_in_dim3A_13 = vector.broadcast %broadcast_in_dim3A_12 : f32 to vector<1x1024xf32>
    %broadcast_in_dim3A_14 = arith.constant 0 : i32
    %broadcast_in_dim3A_15 = vector.broadcast %broadcast_in_dim3A_14 : i32 to vector<1x1024xi32>
    %get3A_16 = arith.constant 0 : index
    %get3A_17 = arith.constant 0 : index
    %get3A_18 = vector.load %arg1[%get3A_16, %get3A_17] : memref<8192x32xf32, #tpu.memory_space<vmem>>, vector<512x32xf32>
    %convert_element_type3A_19 = arith.truncf %get3A_18 : vector<512x32xf32> to vector<512x32xbf16>
    %get3A_20 = arith.constant 0 : index
    %get3A_21 = arith.constant 0 : index
    %get3A_22 = vector.load %arg4[%get3A_20, %get3A_21] : memref<8192x1xf32, #tpu.memory_space<vmem>>, vector<512x1xf32>
    %dot_general3A = arith.constant dense<0.000000e+00> : vector<512x1024xf32>
    %dot_general3A_23 = tpu.matmul %convert_element_type3A_19, %convert_element_type3A, %dot_general3A {dimension_numbers = #tpu.dot_dimension_numbers<[1], [0], [0], [1], [0, 0, 1, 1], [], []>, transpose_lhs_hint = false} : vector<512x32xbf16>, vector<32x1024xbf16>, vector<512x1024xf32> -> vector<512x1024xf32>
    %add3A = vector.broadcast %get3A_8 : vector<1x1024xf32> to vector<512x1024xf32>
    %add3A_24 = vector.broadcast %get3A_22 : vector<512x1xf32> to vector<512x1024xf32>
    %add3A_25 = arith.addf %add3A, %add3A_24 : vector<512x1024xf32>
    %sub3A = arith.subf %add3A_25, %dot_general3A_23 : vector<512x1024xf32>
    %max3A = arith.constant 0.000000e+00 : f32
    %max3A_26 = vector.broadcast %max3A : f32 to vector<512x1024xf32>
    %max3A_27 = arith.maximumf %sub3A, %max3A_26 : vector<512x1024xf32>
    %sqrt3A = math.sqrt %max3A_27 : vector<512x1024xf32>
    %reduce_min3A = arith.constant dense<0x7F800000> : vector<1024xf32>
    %reduce_min3A_28 = vector.multi_reduction <minimumf>, %sqrt3A, %reduce_min3A [0] : vector<512x1024xf32> to vector<1024xf32>
    %broadcast_in_dim3A_29 = vector.shape_cast %reduce_min3A_28 : vector<1024xf32> to vector<1x1024xf32>
    %iota3A = tpu.iota {dimensions = array<i32: 0>} : vector<512x1024xi32>
    %add3A_30 = arith.constant 0 : i32
    %add3A_31 = vector.broadcast %add3A_30 : i32 to vector<512x1024xi32>
    %add3A_32 = arith.addi %iota3A, %add3A_31 : vector<512x1024xi32>
    %eq3A = vector.broadcast %broadcast_in_dim3A_29 : vector<1x1024xf32> to vector<512x1024xf32>
    %eq3A_33 = arith.cmpf oeq, %sqrt3A, %eq3A : vector<512x1024xf32>
    %jit3A = arith.constant 1073741824 : i32
    %broadcast_in_dim3A_34 = vector.broadcast %jit3A : i32 to vector<512x1024xi32>
    %select_n3A = arith.select %eq3A_33, %add3A_32, %broadcast_in_dim3A_34 : vector<512x1024xi1>, vector<512x1024xi32>
    %reduce_min3A_35 = arith.constant dense<2147483647> : vector<1024xi32>
    %reduce_min3A_36 = vector.multi_reduction <minsi>, %select_n3A, %reduce_min3A_35 [0] : vector<512x1024xi32> to vector<1024xi32>
    %broadcast_in_dim3A_37 = vector.shape_cast %reduce_min3A_36 : vector<1024xi32> to vector<1x1024xi32>
    %lt3A = arith.cmpf olt, %broadcast_in_dim3A_29, %broadcast_in_dim3A_13 : vector<1x1024xf32>
    %select_n3A_38 = arith.select %lt3A, %broadcast_in_dim3A_37, %broadcast_in_dim3A_15 : vector<1x1024xi1>, vector<1x1024xi32>
    %select_n3A_39 = arith.select %lt3A, %broadcast_in_dim3A_29, %broadcast_in_dim3A_13 : vector<1x1024xi1>, vector<1x1024xf32>
    %get3A_40 = arith.constant 512 : index
    %get3A_41 = arith.constant 0 : index
    %get3A_42 = vector.load %arg1[%get3A_40, %get3A_41] : memref<8192x32xf32, #tpu.memory_space<vmem>>, vector<512x32xf32>
    %convert_element_type3A_43 = arith.truncf %get3A_42 : vector<512x32xf32> to vector<512x32xbf16>
    %get3A_44 = arith.constant 512 : index
    %get3A_45 = arith.constant 0 : index
    %get3A_46 = vector.load %arg4[%get3A_44, %get3A_45] : memref<8192x1xf32, #tpu.memory_space<vmem>>, vector<512x1xf32>
    %dot_general3A_47 = arith.constant dense<0.000000e+00> : vector<512x1024xf32>
    %dot_general3A_48 = tpu.matmul %convert_element_type3A_43, %convert_element_type3A, %dot_general3A_47 {dimension_numbers = #tpu.dot_dimension_numbers<[1], [0], [0], [1], [0, 0, 1, 1], [], []>, transpose_lhs_hint = false} : vector<512x32xbf16>, vector<32x1024xbf16>, vector<512x1024xf32> -> vector<512x1024xf32>
    %add3A_49 = vector.broadcast %get3A_8 : vector<1x1024xf32> to vector<512x1024xf32>
    %add3A_50 = vector.broadcast %get3A_46 : vector<512x1xf32> to vector<512x1024xf32>
    %add3A_51 = arith.addf %add3A_49, %add3A_50 : vector<512x1024xf32>
    %sub3A_52 = arith.subf %add3A_51, %dot_general3A_48 : vector<512x1024xf32>
    %max3A_53 = arith.constant 0.000000e+00 : f32
    %max3A_54 = vector.broadcast %max3A_53 : f32 to vector<512x1024xf32>
    %max3A_55 = arith.maximumf %sub3A_52, %max3A_54 : vector<512x1024xf32>
    %sqrt3A_56 = math.sqrt %max3A_55 : vector<512x1024xf32>
    %reduce_min3A_57 = arith.constant dense<0x7F800000> : vector<1024xf32>
    %reduce_min3A_58 = vector.multi_reduction <minimumf>, %sqrt3A_56, %reduce_min3A_57 [0] : vector<512x1024xf32> to vector<1024xf32>
    %broadcast_in_dim3A_59 = vector.shape_cast %reduce_min3A_58 : vector<1024xf32> to vector<1x1024xf32>
    %iota3A_60 = tpu.iota {dimensions = array<i32: 0>} : vector<512x1024xi32>
    %add3A_61 = arith.constant 512 : i32
    %add3A_62 = vector.broadcast %add3A_61 : i32 to vector<512x1024xi32>
    %add3A_63 = arith.addi %iota3A_60, %add3A_62 : vector<512x1024xi32>
    %eq3A_64 = vector.broadcast %broadcast_in_dim3A_59 : vector<1x1024xf32> to vector<512x1024xf32>
    %eq3A_65 = arith.cmpf oeq, %sqrt3A_56, %eq3A_64 : vector<512x1024xf32>
    %jit3A_66 = arith.constant 1073741824 : i32
    %broadcast_in_dim3A_67 = vector.broadcast %jit3A_66 : i32 to vector<512x1024xi32>
    %select_n3A_68 = arith.select %eq3A_65, %add3A_63, %broadcast_in_dim3A_67 : vector<512x1024xi1>, vector<512x1024xi32>
    %reduce_min3A_69 = arith.constant dense<2147483647> : vector<1024xi32>
    %reduce_min3A_70 = vector.multi_reduction <minsi>, %select_n3A_68, %reduce_min3A_69 [0] : vector<512x1024xi32> to vector<1024xi32>
    %broadcast_in_dim3A_71 = vector.shape_cast %reduce_min3A_70 : vector<1024xi32> to vector<1x1024xi32>
    %lt3A_72 = arith.cmpf olt, %broadcast_in_dim3A_59, %select_n3A_39 : vector<1x1024xf32>
    %select_n3A_73 = arith.select %lt3A_72, %broadcast_in_dim3A_71, %select_n3A_38 : vector<1x1024xi1>, vector<1x1024xi32>
    %select_n3A_74 = arith.select %lt3A_72, %broadcast_in_dim3A_59, %select_n3A_39 : vector<1x1024xi1>, vector<1x1024xf32>
    %get3A_75 = arith.constant 1024 : index
    %get3A_76 = arith.constant 0 : index
    %get3A_77 = vector.load %arg1[%get3A_75, %get3A_76] : memref<8192x32xf32, #tpu.memory_space<vmem>>, vector<512x32xf32>
    %convert_element_type3A_78 = arith.truncf %get3A_77 : vector<512x32xf32> to vector<512x32xbf16>
    %get3A_79 = arith.constant 1024 : index
    %get3A_80 = arith.constant 0 : index
    %get3A_81 = vector.load %arg4[%get3A_79, %get3A_80] : memref<8192x1xf32, #tpu.memory_space<vmem>>, vector<512x1xf32>
    %dot_general3A_82 = arith.constant dense<0.000000e+00> : vector<512x1024xf32>
    %dot_general3A_83 = tpu.matmul %convert_element_type3A_78, %convert_element_type3A, %dot_general3A_82 {dimension_numbers = #tpu.dot_dimension_numbers<[1], [0], [0], [1], [0, 0, 1, 1], [], []>, transpose_lhs_hint = false} : vector<512x32xbf16>, vector<32x1024xbf16>, vector<512x1024xf32> -> vector<512x1024xf32>
    %add3A_84 = vector.broadcast %get3A_8 : vector<1x1024xf32> to vector<512x1024xf32>
    %add3A_85 = vector.broadcast %get3A_81 : vector<512x1xf32> to vector<512x1024xf32>
    %add3A_86 = arith.addf %add3A_84, %add3A_85 : vector<512x1024xf32>
    %sub3A_87 = arith.subf %add3A_86, %dot_general3A_83 : vector<512x1024xf32>
    %max3A_88 = arith.constant 0.000000e+00 : f32
    %max3A_89 = vector.broadcast %max3A_88 : f32 to vector<512x1024xf32>
    %max3A_90 = arith.maximumf %sub3A_87, %max3A_89 : vector<512x1024xf32>
    %sqrt3A_91 = math.sqrt %max3A_90 : vector<512x1024xf32>
    %reduce_min3A_92 = arith.constant dense<0x7F800000> : vector<1024xf32>
    %reduce_min3A_93 = vector.multi_reduction <minimumf>, %sqrt3A_91, %reduce_min3A_92 [0] : vector<512x1024xf32> to vector<1024xf32>
    %broadcast_in_dim3A_94 = vector.shape_cast %reduce_min3A_93 : vector<1024xf32> to vector<1x1024xf32>
    %iota3A_95 = tpu.iota {dimensions = array<i32: 0>} : vector<512x1024xi32>
    %add3A_96 = arith.constant 1024 : i32
    %add3A_97 = vector.broadcast %add3A_96 : i32 to vector<512x1024xi32>
    %add3A_98 = arith.addi %iota3A_95, %add3A_97 : vector<512x1024xi32>
    %eq3A_99 = vector.broadcast %broadcast_in_dim3A_94 : vector<1x1024xf32> to vector<512x1024xf32>
    %eq3A_100 = arith.cmpf oeq, %sqrt3A_91, %eq3A_99 : vector<512x1024xf32>
    %jit3A_101 = arith.constant 1073741824 : i32
    %broadcast_in_dim3A_102 = vector.broadcast %jit3A_101 : i32 to vector<512x1024xi32>
    %select_n3A_103 = arith.select %eq3A_100, %add3A_98, %broadcast_in_dim3A_102 : vector<512x1024xi1>, vector<512x1024xi32>
    %reduce_min3A_104 = arith.constant dense<2147483647> : vector<1024xi32>
    %reduce_min3A_105 = vector.multi_reduction <minsi>, %select_n3A_103, %reduce_min3A_104 [0] : vector<512x1024xi32> to vector<1024xi32>
    %broadcast_in_dim3A_106 = vector.shape_cast %reduce_min3A_105 : vector<1024xi32> to vector<1x1024xi32>
    %lt3A_107 = arith.cmpf olt, %broadcast_in_dim3A_94, %select_n3A_74 : vector<1x1024xf32>
    %select_n3A_108 = arith.select %lt3A_107, %broadcast_in_dim3A_106, %select_n3A_73 : vector<1x1024xi1>, vector<1x1024xi32>
    %select_n3A_109 = arith.select %lt3A_107, %broadcast_in_dim3A_94, %select_n3A_74 : vector<1x1024xi1>, vector<1x1024xf32>
    %get3A_110 = arith.constant 1536 : index
    %get3A_111 = arith.constant 0 : index
    %get3A_112 = vector.load %arg1[%get3A_110, %get3A_111] : memref<8192x32xf32, #tpu.memory_space<vmem>>, vector<512x32xf32>
    %convert_element_type3A_113 = arith.truncf %get3A_112 : vector<512x32xf32> to vector<512x32xbf16>
    %get3A_114 = arith.constant 1536 : index
    %get3A_115 = arith.constant 0 : index
    %get3A_116 = vector.load %arg4[%get3A_114, %get3A_115] : memref<8192x1xf32, #tpu.memory_space<vmem>>, vector<512x1xf32>
    %dot_general3A_117 = arith.constant dense<0.000000e+00> : vector<512x1024xf32>
    %dot_general3A_118 = tpu.matmul %convert_element_type3A_113, %convert_element_type3A, %dot_general3A_117 {dimension_numbers = #tpu.dot_dimension_numbers<[1], [0], [0], [1], [0, 0, 1, 1], [], []>, transpose_lhs_hint = false} : vector<512x32xbf16>, vector<32x1024xbf16>, vector<512x1024xf32> -> vector<512x1024xf32>
    %add3A_119 = vector.broadcast %get3A_8 : vector<1x1024xf32> to vector<512x1024xf32>
    %add3A_120 = vector.broadcast %get3A_116 : vector<512x1xf32> to vector<512x1024xf32>
    %add3A_121 = arith.addf %add3A_119, %add3A_120 : vector<512x1024xf32>
    %sub3A_122 = arith.subf %add3A_121, %dot_general3A_118 : vector<512x1024xf32>
    %max3A_123 = arith.constant 0.000000e+00 : f32
    %max3A_124 = vector.broadcast %max3A_123 : f32 to vector<512x1024xf32>
    %max3A_125 = arith.maximumf %sub3A_122, %max3A_124 : vector<512x1024xf32>
    %sqrt3A_126 = math.sqrt %max3A_125 : vector<512x1024xf32>
    %reduce_min3A_127 = arith.constant dense<0x7F800000> : vector<1024xf32>
    %reduce_min3A_128 = vector.multi_reduction <minimumf>, %sqrt3A_126, %reduce_min3A_127 [0] : vector<512x1024xf32> to vector<1024xf32>
    %broadcast_in_dim3A_129 = vector.shape_cast %reduce_min3A_128 : vector<1024xf32> to vector<1x1024xf32>
    %iota3A_130 = tpu.iota {dimensions = array<i32: 0>} : vector<512x1024xi32>
    %add3A_131 = arith.constant 1536 : i32
    %add3A_132 = vector.broadcast %add3A_131 : i32 to vector<512x1024xi32>
    %add3A_133 = arith.addi %iota3A_130, %add3A_132 : vector<512x1024xi32>
    %eq3A_134 = vector.broadcast %broadcast_in_dim3A_129 : vector<1x1024xf32> to vector<512x1024xf32>
    %eq3A_135 = arith.cmpf oeq, %sqrt3A_126, %eq3A_134 : vector<512x1024xf32>
    %jit3A_136 = arith.constant 1073741824 : i32
    %broadcast_in_dim3A_137 = vector.broadcast %jit3A_136 : i32 to vector<512x1024xi32>
    %select_n3A_138 = arith.select %eq3A_135, %add3A_133, %broadcast_in_dim3A_137 : vector<512x1024xi1>, vector<512x1024xi32>
    %reduce_min3A_139 = arith.constant dense<2147483647> : vector<1024xi32>
    %reduce_min3A_140 = vector.multi_reduction <minsi>, %select_n3A_138, %reduce_min3A_139 [0] : vector<512x1024xi32> to vector<1024xi32>
    %broadcast_in_dim3A_141 = vector.shape_cast %reduce_min3A_140 : vector<1024xi32> to vector<1x1024xi32>
    %lt3A_142 = arith.cmpf olt, %broadcast_in_dim3A_129, %select_n3A_109 : vector<1x1024xf32>
    %select_n3A_143 = arith.select %lt3A_142, %broadcast_in_dim3A_141, %select_n3A_108 : vector<1x1024xi1>, vector<1x1024xi32>
    %select_n3A_144 = arith.select %lt3A_142, %broadcast_in_dim3A_129, %select_n3A_109 : vector<1x1024xi1>, vector<1x1024xf32>
    %get3A_145 = arith.constant 2048 : index
    %get3A_146 = arith.constant 0 : index
    %get3A_147 = vector.load %arg1[%get3A_145, %get3A_146] : memref<8192x32xf32, #tpu.memory_space<vmem>>, vector<512x32xf32>
    %convert_element_type3A_148 = arith.truncf %get3A_147 : vector<512x32xf32> to vector<512x32xbf16>
    %get3A_149 = arith.constant 2048 : index
    %get3A_150 = arith.constant 0 : index
    %get3A_151 = vector.load %arg4[%get3A_149, %get3A_150] : memref<8192x1xf32, #tpu.memory_space<vmem>>, vector<512x1xf32>
    %dot_general3A_152 = arith.constant dense<0.000000e+00> : vector<512x1024xf32>
    %dot_general3A_153 = tpu.matmul %convert_element_type3A_148, %convert_element_type3A, %dot_general3A_152 {dimension_numbers = #tpu.dot_dimension_numbers<[1], [0], [0], [1], [0, 0, 1, 1], [], []>, transpose_lhs_hint = false} : vector<512x32xbf16>, vector<32x1024xbf16>, vector<512x1024xf32> -> vector<512x1024xf32>
    %add3A_154 = vector.broadcast %get3A_8 : vector<1x1024xf32> to vector<512x1024xf32>
    %add3A_155 = vector.broadcast %get3A_151 : vector<512x1xf32> to vector<512x1024xf32>
    %add3A_156 = arith.addf %add3A_154, %add3A_155 : vector<512x1024xf32>
    %sub3A_157 = arith.subf %add3A_156, %dot_general3A_153 : vector<512x1024xf32>
    %max3A_158 = arith.constant 0.000000e+00 : f32
    %max3A_159 = vector.broadcast %max3A_158 : f32 to vector<512x1024xf32>
    %max3A_160 = arith.maximumf %sub3A_157, %max3A_159 : vector<512x1024xf32>
    %sqrt3A_161 = math.sqrt %max3A_160 : vector<512x1024xf32>
    %reduce_min3A_162 = arith.constant dense<0x7F800000> : vector<1024xf32>
    %reduce_min3A_163 = vector.multi_reduction <minimumf>, %sqrt3A_161, %reduce_min3A_162 [0] : vector<512x1024xf32> to vector<1024xf32>
    %broadcast_in_dim3A_164 = vector.shape_cast %reduce_min3A_163 : vector<1024xf32> to vector<1x1024xf32>
    %iota3A_165 = tpu.iota {dimensions = array<i32: 0>} : vector<512x1024xi32>
    %add3A_166 = arith.constant 2048 : i32
    %add3A_167 = vector.broadcast %add3A_166 : i32 to vector<512x1024xi32>
    %add3A_168 = arith.addi %iota3A_165, %add3A_167 : vector<512x1024xi32>
    %eq3A_169 = vector.broadcast %broadcast_in_dim3A_164 : vector<1x1024xf32> to vector<512x1024xf32>
    %eq3A_170 = arith.cmpf oeq, %sqrt3A_161, %eq3A_169 : vector<512x1024xf32>
    %jit3A_171 = arith.constant 1073741824 : i32
    %broadcast_in_dim3A_172 = vector.broadcast %jit3A_171 : i32 to vector<512x1024xi32>
    %select_n3A_173 = arith.select %eq3A_170, %add3A_168, %broadcast_in_dim3A_172 : vector<512x1024xi1>, vector<512x1024xi32>
    %reduce_min3A_174 = arith.constant dense<2147483647> : vector<1024xi32>
    %reduce_min3A_175 = vector.multi_reduction <minsi>, %select_n3A_173, %reduce_min3A_174 [0] : vector<512x1024xi32> to vector<1024xi32>
    %broadcast_in_dim3A_176 = vector.shape_cast %reduce_min3A_175 : vector<1024xi32> to vector<1x1024xi32>
    %lt3A_177 = arith.cmpf olt, %broadcast_in_dim3A_164, %select_n3A_144 : vector<1x1024xf32>
    %select_n3A_178 = arith.select %lt3A_177, %broadcast_in_dim3A_176, %select_n3A_143 : vector<1x1024xi1>, vector<1x1024xi32>
    %select_n3A_179 = arith.select %lt3A_177, %broadcast_in_dim3A_164, %select_n3A_144 : vector<1x1024xi1>, vector<1x1024xf32>
    %get3A_180 = arith.constant 2560 : index
    %get3A_181 = arith.constant 0 : index
    %get3A_182 = vector.load %arg1[%get3A_180, %get3A_181] : memref<8192x32xf32, #tpu.memory_space<vmem>>, vector<256x32xf32>
    %convert_element_type3A_183 = arith.truncf %get3A_182 : vector<256x32xf32> to vector<256x32xbf16>
    %get3A_184 = arith.constant 2560 : index
    %get3A_185 = arith.constant 0 : index
    %get3A_186 = vector.load %arg4[%get3A_184, %get3A_185] : memref<8192x1xf32, #tpu.memory_space<vmem>>, vector<256x1xf32>
    %dot_general3A_187 = arith.constant dense<0.000000e+00> : vector<256x1024xf32>
    %dot_general3A_188 = tpu.matmul %convert_element_type3A_183, %convert_element_type3A, %dot_general3A_187 {dimension_numbers = #tpu.dot_dimension_numbers<[1], [0], [0], [1], [0, 0, 1, 1], [], []>, transpose_lhs_hint = false} : vector<256x32xbf16>, vector<32x1024xbf16>, vector<256x1024xf32> -> vector<256x1024xf32>
    %add3A_189 = vector.broadcast %get3A_8 : vector<1x1024xf32> to vector<256x1024xf32>
    %add3A_190 = vector.broadcast %get3A_186 : vector<256x1xf32> to vector<256x1024xf32>
    %add3A_191 = arith.addf %add3A_189, %add3A_190 : vector<256x1024xf32>
    %sub3A_192 = arith.subf %add3A_191, %dot_general3A_188 : vector<256x1024xf32>
    %max3A_193 = arith.constant 0.000000e+00 : f32
    %max3A_194 = vector.broadcast %max3A_193 : f32 to vector<256x1024xf32>
    %max3A_195 = arith.maximumf %sub3A_192, %max3A_194 : vector<256x1024xf32>
    %sqrt3A_196 = math.sqrt %max3A_195 : vector<256x1024xf32>
    %reduce_min3A_197 = arith.constant dense<0x7F800000> : vector<1024xf32>
    %reduce_min3A_198 = vector.multi_reduction <minimumf>, %sqrt3A_196, %reduce_min3A_197 [0] : vector<256x1024xf32> to vector<1024xf32>
    %broadcast_in_dim3A_199 = vector.shape_cast %reduce_min3A_198 : vector<1024xf32> to vector<1x1024xf32>
    %iota3A_200 = tpu.iota {dimensions = array<i32: 0>} : vector<256x1024xi32>
    %add3A_201 = arith.constant 2560 : i32
    %add3A_202 = vector.broadcast %add3A_201 : i32 to vector<256x1024xi32>
    %add3A_203 = arith.addi %iota3A_200, %add3A_202 : vector<256x1024xi32>
    %eq3A_204 = vector.broadcast %broadcast_in_dim3A_199 : vector<1x1024xf32> to vector<256x1024xf32>
    %eq3A_205 = arith.cmpf oeq, %sqrt3A_196, %eq3A_204 : vector<256x1024xf32>
    %jit3A_206 = arith.constant 1073741824 : i32
    %broadcast_in_dim3A_207 = vector.broadcast %jit3A_206 : i32 to vector<256x1024xi32>
    %select_n3A_208 = arith.select %eq3A_205, %add3A_203, %broadcast_in_dim3A_207 : vector<256x1024xi1>, vector<256x1024xi32>
    %reduce_min3A_209 = arith.constant dense<2147483647> : vector<1024xi32>
    %reduce_min3A_210 = vector.multi_reduction <minsi>, %select_n3A_208, %reduce_min3A_209 [0] : vector<256x1024xi32> to vector<1024xi32>
    %broadcast_in_dim3A_211 = vector.shape_cast %reduce_min3A_210 : vector<1024xi32> to vector<1x1024xi32>
    %lt3A_212 = arith.cmpf olt, %broadcast_in_dim3A_199, %select_n3A_179 : vector<1x1024xf32>
    %select_n3A_213 = arith.select %lt3A_212, %broadcast_in_dim3A_211, %select_n3A_178 : vector<1x1024xi1>, vector<1x1024xi32>
    %select_n3A_214 = arith.select %lt3A_212, %broadcast_in_dim3A_199, %select_n3A_179 : vector<1x1024xi1>, vector<1x1024xf32>
    %lt3A_215 = arith.cmpf olt, %select_n3A_214, %broadcast_in_dim3A_9 : vector<1x1024xf32>
    %select_n3A_216 = arith.select %lt3A_215, %select_n3A_213, %broadcast_in_dim3A_11 : vector<1x1024xi1>, vector<1x1024xi32>
    %select_n3A_217 = arith.select %lt3A_215, %select_n3A_214, %broadcast_in_dim3A_9 : vector<1x1024xi1>, vector<1x1024xf32>
    %convert_element_type3A_218 = arith.truncf %select_n3A_217 : vector<1x1024xf32> to vector<1x1024xbf16>
    %convert_element_type3A_219 = arith.extf %convert_element_type3A_218 : vector<1x1024xbf16> to vector<1x1024xf32>
    %broadcast_in_dim3A_220 = arith.constant 0x7F800000 : f32
    %broadcast_in_dim3A_221 = vector.broadcast %broadcast_in_dim3A_220 : f32 to vector<1x1024xf32>
    %broadcast_in_dim3A_222 = arith.constant 0 : i32
    %broadcast_in_dim3A_223 = vector.broadcast %broadcast_in_dim3A_222 : i32 to vector<1x1024xi32>
    %get3A_224 = arith.constant 2816 : index
    %get3A_225 = arith.constant 0 : index
    %get3A_226 = vector.load %arg1[%get3A_224, %get3A_225] : memref<8192x32xf32, #tpu.memory_space<vmem>>, vector<512x32xf32>
    %convert_element_type3A_227 = arith.truncf %get3A_226 : vector<512x32xf32> to vector<512x32xbf16>
    %get3A_228 = arith.constant 2816 : index
    %get3A_229 = arith.constant 0 : index
    %get3A_230 = vector.load %arg4[%get3A_228, %get3A_229] : memref<8192x1xf32, #tpu.memory_space<vmem>>, vector<512x1xf32>
    %dot_general3A_231 = arith.constant dense<0.000000e+00> : vector<512x1024xf32>
    %dot_general3A_232 = tpu.matmul %convert_element_type3A_227, %convert_element_type3A, %dot_general3A_231 {dimension_numbers = #tpu.dot_dimension_numbers<[1], [0], [0], [1], [0, 0, 1, 1], [], []>, transpose_lhs_hint = false} : vector<512x32xbf16>, vector<32x1024xbf16>, vector<512x1024xf32> -> vector<512x1024xf32>
    %add3A_233 = vector.broadcast %get3A_8 : vector<1x1024xf32> to vector<512x1024xf32>
    %add3A_234 = vector.broadcast %get3A_230 : vector<512x1xf32> to vector<512x1024xf32>
    %add3A_235 = arith.addf %add3A_233, %add3A_234 : vector<512x1024xf32>
    %sub3A_236 = arith.subf %add3A_235, %dot_general3A_232 : vector<512x1024xf32>
    %max3A_237 = arith.constant 0.000000e+00 : f32
    %max3A_238 = vector.broadcast %max3A_237 : f32 to vector<512x1024xf32>
    %max3A_239 = arith.maximumf %sub3A_236, %max3A_238 : vector<512x1024xf32>
    %sqrt3A_240 = math.sqrt %max3A_239 : vector<512x1024xf32>
    %reduce_min3A_241 = arith.constant dense<0x7F800000> : vector<1024xf32>
    %reduce_min3A_242 = vector.multi_reduction <minimumf>, %sqrt3A_240, %reduce_min3A_241 [0] : vector<512x1024xf32> to vector<1024xf32>
    %broadcast_in_dim3A_243 = vector.shape_cast %reduce_min3A_242 : vector<1024xf32> to vector<1x1024xf32>
    %iota3A_244 = tpu.iota {dimensions = array<i32: 0>} : vector<512x1024xi32>
    %add3A_245 = arith.constant 2816 : i32
    %add3A_246 = vector.broadcast %add3A_245 : i32 to vector<512x1024xi32>
    %add3A_247 = arith.addi %iota3A_244, %add3A_246 : vector<512x1024xi32>
    %eq3A_248 = vector.broadcast %broadcast_in_dim3A_243 : vector<1x1024xf32> to vector<512x1024xf32>
    %eq3A_249 = arith.cmpf oeq, %sqrt3A_240, %eq3A_248 : vector<512x1024xf32>
    %jit3A_250 = arith.constant 1073741824 : i32
    %broadcast_in_dim3A_251 = vector.broadcast %jit3A_250 : i32 to vector<512x1024xi32>
    %select_n3A_252 = arith.select %eq3A_249, %add3A_247, %broadcast_in_dim3A_251 : vector<512x1024xi1>, vector<512x1024xi32>
    %reduce_min3A_253 = arith.constant dense<2147483647> : vector<1024xi32>
    %reduce_min3A_254 = vector.multi_reduction <minsi>, %select_n3A_252, %reduce_min3A_253 [0] : vector<512x1024xi32> to vector<1024xi32>
    %broadcast_in_dim3A_255 = vector.shape_cast %reduce_min3A_254 : vector<1024xi32> to vector<1x1024xi32>
    %lt3A_256 = arith.cmpf olt, %broadcast_in_dim3A_243, %broadcast_in_dim3A_221 : vector<1x1024xf32>
    %select_n3A_257 = arith.select %lt3A_256, %broadcast_in_dim3A_255, %broadcast_in_dim3A_223 : vector<1x1024xi1>, vector<1x1024xi32>
    %select_n3A_258 = arith.select %lt3A_256, %broadcast_in_dim3A_243, %broadcast_in_dim3A_221 : vector<1x1024xi1>, vector<1x1024xf32>
    %get3A_259 = arith.constant 3328 : index
    %get3A_260 = arith.constant 0 : index
    %get3A_261 = vector.load %arg1[%get3A_259, %get3A_260] : memref<8192x32xf32, #tpu.memory_space<vmem>>, vector<512x32xf32>
    %convert_element_type3A_262 = arith.truncf %get3A_261 : vector<512x32xf32> to vector<512x32xbf16>
    %get3A_263 = arith.constant 3328 : index
    %get3A_264 = arith.constant 0 : index
    %get3A_265 = vector.load %arg4[%get3A_263, %get3A_264] : memref<8192x1xf32, #tpu.memory_space<vmem>>, vector<512x1xf32>
    %dot_general3A_266 = arith.constant dense<0.000000e+00> : vector<512x1024xf32>
    %dot_general3A_267 = tpu.matmul %convert_element_type3A_262, %convert_element_type3A, %dot_general3A_266 {dimension_numbers = #tpu.dot_dimension_numbers<[1], [0], [0], [1], [0, 0, 1, 1], [], []>, transpose_lhs_hint = false} : vector<512x32xbf16>, vector<32x1024xbf16>, vector<512x1024xf32> -> vector<512x1024xf32>
    %add3A_268 = vector.broadcast %get3A_8 : vector<1x1024xf32> to vector<512x1024xf32>
    %add3A_269 = vector.broadcast %get3A_265 : vector<512x1xf32> to vector<512x1024xf32>
    %add3A_270 = arith.addf %add3A_268, %add3A_269 : vector<512x1024xf32>
    %sub3A_271 = arith.subf %add3A_270, %dot_general3A_267 : vector<512x1024xf32>
    %max3A_272 = arith.constant 0.000000e+00 : f32
    %max3A_273 = vector.broadcast %max3A_272 : f32 to vector<512x1024xf32>
    %max3A_274 = arith.maximumf %sub3A_271, %max3A_273 : vector<512x1024xf32>
    %sqrt3A_275 = math.sqrt %max3A_274 : vector<512x1024xf32>
    %reduce_min3A_276 = arith.constant dense<0x7F800000> : vector<1024xf32>
    %reduce_min3A_277 = vector.multi_reduction <minimumf>, %sqrt3A_275, %reduce_min3A_276 [0] : vector<512x1024xf32> to vector<1024xf32>
    %broadcast_in_dim3A_278 = vector.shape_cast %reduce_min3A_277 : vector<1024xf32> to vector<1x1024xf32>
    %iota3A_279 = tpu.iota {dimensions = array<i32: 0>} : vector<512x1024xi32>
    %add3A_280 = arith.constant 3328 : i32
    %add3A_281 = vector.broadcast %add3A_280 : i32 to vector<512x1024xi32>
    %add3A_282 = arith.addi %iota3A_279, %add3A_281 : vector<512x1024xi32>
    %eq3A_283 = vector.broadcast %broadcast_in_dim3A_278 : vector<1x1024xf32> to vector<512x1024xf32>
    %eq3A_284 = arith.cmpf oeq, %sqrt3A_275, %eq3A_283 : vector<512x1024xf32>
    %jit3A_285 = arith.constant 1073741824 : i32
    %broadcast_in_dim3A_286 = vector.broadcast %jit3A_285 : i32 to vector<512x1024xi32>
    %select_n3A_287 = arith.select %eq3A_284, %add3A_282, %broadcast_in_dim3A_286 : vector<512x1024xi1>, vector<512x1024xi32>
    %reduce_min3A_288 = arith.constant dense<2147483647> : vector<1024xi32>
    %reduce_min3A_289 = vector.multi_reduction <minsi>, %select_n3A_287, %reduce_min3A_288 [0] : vector<512x1024xi32> to vector<1024xi32>
    %broadcast_in_dim3A_290 = vector.shape_cast %reduce_min3A_289 : vector<1024xi32> to vector<1x1024xi32>
    %lt3A_291 = arith.cmpf olt, %broadcast_in_dim3A_278, %select_n3A_258 : vector<1x1024xf32>
    %select_n3A_292 = arith.select %lt3A_291, %broadcast_in_dim3A_290, %select_n3A_257 : vector<1x1024xi1>, vector<1x1024xi32>
    %select_n3A_293 = arith.select %lt3A_291, %broadcast_in_dim3A_278, %select_n3A_258 : vector<1x1024xi1>, vector<1x1024xf32>
    %get3A_294 = arith.constant 3840 : index
    %get3A_295 = arith.constant 0 : index
    %get3A_296 = vector.load %arg1[%get3A_294, %get3A_295] : memref<8192x32xf32, #tpu.memory_space<vmem>>, vector<512x32xf32>
    %convert_element_type3A_297 = arith.truncf %get3A_296 : vector<512x32xf32> to vector<512x32xbf16>
    %get3A_298 = arith.constant 3840 : index
    %get3A_299 = arith.constant 0 : index
    %get3A_300 = vector.load %arg4[%get3A_298, %get3A_299] : memref<8192x1xf32, #tpu.memory_space<vmem>>, vector<512x1xf32>
    %dot_general3A_301 = arith.constant dense<0.000000e+00> : vector<512x1024xf32>
    %dot_general3A_302 = tpu.matmul %convert_element_type3A_297, %convert_element_type3A, %dot_general3A_301 {dimension_numbers = #tpu.dot_dimension_numbers<[1], [0], [0], [1], [0, 0, 1, 1], [], []>, transpose_lhs_hint = false} : vector<512x32xbf16>, vector<32x1024xbf16>, vector<512x1024xf32> -> vector<512x1024xf32>
    %add3A_303 = vector.broadcast %get3A_8 : vector<1x1024xf32> to vector<512x1024xf32>
    %add3A_304 = vector.broadcast %get3A_300 : vector<512x1xf32> to vector<512x1024xf32>
    %add3A_305 = arith.addf %add3A_303, %add3A_304 : vector<512x1024xf32>
    %sub3A_306 = arith.subf %add3A_305, %dot_general3A_302 : vector<512x1024xf32>
    %max3A_307 = arith.constant 0.000000e+00 : f32
    %max3A_308 = vector.broadcast %max3A_307 : f32 to vector<512x1024xf32>
    %max3A_309 = arith.maximumf %sub3A_306, %max3A_308 : vector<512x1024xf32>
    %sqrt3A_310 = math.sqrt %max3A_309 : vector<512x1024xf32>
    %reduce_min3A_311 = arith.constant dense<0x7F800000> : vector<1024xf32>
    %reduce_min3A_312 = vector.multi_reduction <minimumf>, %sqrt3A_310, %reduce_min3A_311 [0] : vector<512x1024xf32> to vector<1024xf32>
    %broadcast_in_dim3A_313 = vector.shape_cast %reduce_min3A_312 : vector<1024xf32> to vector<1x1024xf32>
    %iota3A_314 = tpu.iota {dimensions = array<i32: 0>} : vector<512x1024xi32>
    %add3A_315 = arith.constant 3840 : i32
    %add3A_316 = vector.broadcast %add3A_315 : i32 to vector<512x1024xi32>
    %add3A_317 = arith.addi %iota3A_314, %add3A_316 : vector<512x1024xi32>
    %eq3A_318 = vector.broadcast %broadcast_in_dim3A_313 : vector<1x1024xf32> to vector<512x1024xf32>
    %eq3A_319 = arith.cmpf oeq, %sqrt3A_310, %eq3A_318 : vector<512x1024xf32>
    %jit3A_320 = arith.constant 1073741824 : i32
    %broadcast_in_dim3A_321 = vector.broadcast %jit3A_320 : i32 to vector<512x1024xi32>
    %select_n3A_322 = arith.select %eq3A_319, %add3A_317, %broadcast_in_dim3A_321 : vector<512x1024xi1>, vector<512x1024xi32>
    %reduce_min3A_323 = arith.constant dense<2147483647> : vector<1024xi32>
    %reduce_min3A_324 = vector.multi_reduction <minsi>, %select_n3A_322, %reduce_min3A_323 [0] : vector<512x1024xi32> to vector<1024xi32>
    %broadcast_in_dim3A_325 = vector.shape_cast %reduce_min3A_324 : vector<1024xi32> to vector<1x1024xi32>
    %lt3A_326 = arith.cmpf olt, %broadcast_in_dim3A_313, %select_n3A_293 : vector<1x1024xf32>
    %select_n3A_327 = arith.select %lt3A_326, %broadcast_in_dim3A_325, %select_n3A_292 : vector<1x1024xi1>, vector<1x1024xi32>
    %select_n3A_328 = arith.select %lt3A_326, %broadcast_in_dim3A_313, %select_n3A_293 : vector<1x1024xi1>, vector<1x1024xf32>
    %get3A_329 = arith.constant 4352 : index
    %get3A_330 = arith.constant 0 : index
    %get3A_331 = vector.load %arg1[%get3A_329, %get3A_330] : memref<8192x32xf32, #tpu.memory_space<vmem>>, vector<512x32xf32>
    %convert_element_type3A_332 = arith.truncf %get3A_331 : vector<512x32xf32> to vector<512x32xbf16>
    %get3A_333 = arith.constant 4352 : index
    %get3A_334 = arith.constant 0 : index
    %get3A_335 = vector.load %arg4[%get3A_333, %get3A_334] : memref<8192x1xf32, #tpu.memory_space<vmem>>, vector<512x1xf32>
    %dot_general3A_336 = arith.constant dense<0.000000e+00> : vector<512x1024xf32>
    %dot_general3A_337 = tpu.matmul %convert_element_type3A_332, %convert_element_type3A, %dot_general3A_336 {dimension_numbers = #tpu.dot_dimension_numbers<[1], [0], [0], [1], [0, 0, 1, 1], [], []>, transpose_lhs_hint = false} : vector<512x32xbf16>, vector<32x1024xbf16>, vector<512x1024xf32> -> vector<512x1024xf32>
    %add3A_338 = vector.broadcast %get3A_8 : vector<1x1024xf32> to vector<512x1024xf32>
    %add3A_339 = vector.broadcast %get3A_335 : vector<512x1xf32> to vector<512x1024xf32>
    %add3A_340 = arith.addf %add3A_338, %add3A_339 : vector<512x1024xf32>
    %sub3A_341 = arith.subf %add3A_340, %dot_general3A_337 : vector<512x1024xf32>
    %max3A_342 = arith.constant 0.000000e+00 : f32
    %max3A_343 = vector.broadcast %max3A_342 : f32 to vector<512x1024xf32>
    %max3A_344 = arith.maximumf %sub3A_341, %max3A_343 : vector<512x1024xf32>
    %sqrt3A_345 = math.sqrt %max3A_344 : vector<512x1024xf32>
    %reduce_min3A_346 = arith.constant dense<0x7F800000> : vector<1024xf32>
    %reduce_min3A_347 = vector.multi_reduction <minimumf>, %sqrt3A_345, %reduce_min3A_346 [0] : vector<512x1024xf32> to vector<1024xf32>
    %broadcast_in_dim3A_348 = vector.shape_cast %reduce_min3A_347 : vector<1024xf32> to vector<1x1024xf32>
    %iota3A_349 = tpu.iota {dimensions = array<i32: 0>} : vector<512x1024xi32>
    %add3A_350 = arith.constant 4352 : i32
    %add3A_351 = vector.broadcast %add3A_350 : i32 to vector<512x1024xi32>
    %add3A_352 = arith.addi %iota3A_349, %add3A_351 : vector<512x1024xi32>
    %eq3A_353 = vector.broadcast %broadcast_in_dim3A_348 : vector<1x1024xf32> to vector<512x1024xf32>
    %eq3A_354 = arith.cmpf oeq, %sqrt3A_345, %eq3A_353 : vector<512x1024xf32>
    %jit3A_355 = arith.constant 1073741824 : i32
    %broadcast_in_dim3A_356 = vector.broadcast %jit3A_355 : i32 to vector<512x1024xi32>
    %select_n3A_357 = arith.select %eq3A_354, %add3A_352, %broadcast_in_dim3A_356 : vector<512x1024xi1>, vector<512x1024xi32>
    %reduce_min3A_358 = arith.constant dense<2147483647> : vector<1024xi32>
    %reduce_min3A_359 = vector.multi_reduction <minsi>, %select_n3A_357, %reduce_min3A_358 [0] : vector<512x1024xi32> to vector<1024xi32>
    %broadcast_in_dim3A_360 = vector.shape_cast %reduce_min3A_359 : vector<1024xi32> to vector<1x1024xi32>
    %lt3A_361 = arith.cmpf olt, %broadcast_in_dim3A_348, %select_n3A_328 : vector<1x1024xf32>
    %select_n3A_362 = arith.select %lt3A_361, %broadcast_in_dim3A_360, %select_n3A_327 : vector<1x1024xi1>, vector<1x1024xi32>
    %select_n3A_363 = arith.select %lt3A_361, %broadcast_in_dim3A_348, %select_n3A_328 : vector<1x1024xi1>, vector<1x1024xf32>
    %get3A_364 = arith.constant 4864 : index
    %get3A_365 = arith.constant 0 : index
    %get3A_366 = vector.load %arg1[%get3A_364, %get3A_365] : memref<8192x32xf32, #tpu.memory_space<vmem>>, vector<512x32xf32>
    %convert_element_type3A_367 = arith.truncf %get3A_366 : vector<512x32xf32> to vector<512x32xbf16>
    %get3A_368 = arith.constant 4864 : index
    %get3A_369 = arith.constant 0 : index
    %get3A_370 = vector.load %arg4[%get3A_368, %get3A_369] : memref<8192x1xf32, #tpu.memory_space<vmem>>, vector<512x1xf32>
    %dot_general3A_371 = arith.constant dense<0.000000e+00> : vector<512x1024xf32>
    %dot_general3A_372 = tpu.matmul %convert_element_type3A_367, %convert_element_type3A, %dot_general3A_371 {dimension_numbers = #tpu.dot_dimension_numbers<[1], [0], [0], [1], [0, 0, 1, 1], [], []>, transpose_lhs_hint = false} : vector<512x32xbf16>, vector<32x1024xbf16>, vector<512x1024xf32> -> vector<512x1024xf32>
    %add3A_373 = vector.broadcast %get3A_8 : vector<1x1024xf32> to vector<512x1024xf32>
    %add3A_374 = vector.broadcast %get3A_370 : vector<512x1xf32> to vector<512x1024xf32>
    %add3A_375 = arith.addf %add3A_373, %add3A_374 : vector<512x1024xf32>
    %sub3A_376 = arith.subf %add3A_375, %dot_general3A_372 : vector<512x1024xf32>
    %max3A_377 = arith.constant 0.000000e+00 : f32
    %max3A_378 = vector.broadcast %max3A_377 : f32 to vector<512x1024xf32>
    %max3A_379 = arith.maximumf %sub3A_376, %max3A_378 : vector<512x1024xf32>
    %sqrt3A_380 = math.sqrt %max3A_379 : vector<512x1024xf32>
    %reduce_min3A_381 = arith.constant dense<0x7F800000> : vector<1024xf32>
    %reduce_min3A_382 = vector.multi_reduction <minimumf>, %sqrt3A_380, %reduce_min3A_381 [0] : vector<512x1024xf32> to vector<1024xf32>
    %broadcast_in_dim3A_383 = vector.shape_cast %reduce_min3A_382 : vector<1024xf32> to vector<1x1024xf32>
    %iota3A_384 = tpu.iota {dimensions = array<i32: 0>} : vector<512x1024xi32>
    %add3A_385 = arith.constant 4864 : i32
    %add3A_386 = vector.broadcast %add3A_385 : i32 to vector<512x1024xi32>
    %add3A_387 = arith.addi %iota3A_384, %add3A_386 : vector<512x1024xi32>
    %eq3A_388 = vector.broadcast %broadcast_in_dim3A_383 : vector<1x1024xf32> to vector<512x1024xf32>
    %eq3A_389 = arith.cmpf oeq, %sqrt3A_380, %eq3A_388 : vector<512x1024xf32>
    %jit3A_390 = arith.constant 1073741824 : i32
    %broadcast_in_dim3A_391 = vector.broadcast %jit3A_390 : i32 to vector<512x1024xi32>
    %select_n3A_392 = arith.select %eq3A_389, %add3A_387, %broadcast_in_dim3A_391 : vector<512x1024xi1>, vector<512x1024xi32>
    %reduce_min3A_393 = arith.constant dense<2147483647> : vector<1024xi32>
    %reduce_min3A_394 = vector.multi_reduction <minsi>, %select_n3A_392, %reduce_min3A_393 [0] : vector<512x1024xi32> to vector<1024xi32>
    %broadcast_in_dim3A_395 = vector.shape_cast %reduce_min3A_394 : vector<1024xi32> to vector<1x1024xi32>
    %lt3A_396 = arith.cmpf olt, %broadcast_in_dim3A_383, %select_n3A_363 : vector<1x1024xf32>
    %select_n3A_397 = arith.select %lt3A_396, %broadcast_in_dim3A_395, %select_n3A_362 : vector<1x1024xi1>, vector<1x1024xi32>
    %select_n3A_398 = arith.select %lt3A_396, %broadcast_in_dim3A_383, %select_n3A_363 : vector<1x1024xi1>, vector<1x1024xf32>
    %get3A_399 = arith.constant 5376 : index
    %get3A_400 = arith.constant 0 : index
    %get3A_401 = vector.load %arg1[%get3A_399, %get3A_400] : memref<8192x32xf32, #tpu.memory_space<vmem>>, vector<256x32xf32>
    %convert_element_type3A_402 = arith.truncf %get3A_401 : vector<256x32xf32> to vector<256x32xbf16>
    %get3A_403 = arith.constant 5376 : index
    %get3A_404 = arith.constant 0 : index
    %get3A_405 = vector.load %arg4[%get3A_403, %get3A_404] : memref<8192x1xf32, #tpu.memory_space<vmem>>, vector<256x1xf32>
    %dot_general3A_406 = arith.constant dense<0.000000e+00> : vector<256x1024xf32>
    %dot_general3A_407 = tpu.matmul %convert_element_type3A_402, %convert_element_type3A, %dot_general3A_406 {dimension_numbers = #tpu.dot_dimension_numbers<[1], [0], [0], [1], [0, 0, 1, 1], [], []>, transpose_lhs_hint = false} : vector<256x32xbf16>, vector<32x1024xbf16>, vector<256x1024xf32> -> vector<256x1024xf32>
    %add3A_408 = vector.broadcast %get3A_8 : vector<1x1024xf32> to vector<256x1024xf32>
    %add3A_409 = vector.broadcast %get3A_405 : vector<256x1xf32> to vector<256x1024xf32>
    %add3A_410 = arith.addf %add3A_408, %add3A_409 : vector<256x1024xf32>
    %sub3A_411 = arith.subf %add3A_410, %dot_general3A_407 : vector<256x1024xf32>
    %max3A_412 = arith.constant 0.000000e+00 : f32
    %max3A_413 = vector.broadcast %max3A_412 : f32 to vector<256x1024xf32>
    %max3A_414 = arith.maximumf %sub3A_411, %max3A_413 : vector<256x1024xf32>
    %sqrt3A_415 = math.sqrt %max3A_414 : vector<256x1024xf32>
    %reduce_min3A_416 = arith.constant dense<0x7F800000> : vector<1024xf32>
    %reduce_min3A_417 = vector.multi_reduction <minimumf>, %sqrt3A_415, %reduce_min3A_416 [0] : vector<256x1024xf32> to vector<1024xf32>
    %broadcast_in_dim3A_418 = vector.shape_cast %reduce_min3A_417 : vector<1024xf32> to vector<1x1024xf32>
    %iota3A_419 = tpu.iota {dimensions = array<i32: 0>} : vector<256x1024xi32>
    %add3A_420 = arith.constant 5376 : i32
    %add3A_421 = vector.broadcast %add3A_420 : i32 to vector<256x1024xi32>
    %add3A_422 = arith.addi %iota3A_419, %add3A_421 : vector<256x1024xi32>
    %eq3A_423 = vector.broadcast %broadcast_in_dim3A_418 : vector<1x1024xf32> to vector<256x1024xf32>
    %eq3A_424 = arith.cmpf oeq, %sqrt3A_415, %eq3A_423 : vector<256x1024xf32>
    %jit3A_425 = arith.constant 1073741824 : i32
    %broadcast_in_dim3A_426 = vector.broadcast %jit3A_425 : i32 to vector<256x1024xi32>
    %select_n3A_427 = arith.select %eq3A_424, %add3A_422, %broadcast_in_dim3A_426 : vector<256x1024xi1>, vector<256x1024xi32>
    %reduce_min3A_428 = arith.constant dense<2147483647> : vector<1024xi32>
    %reduce_min3A_429 = vector.multi_reduction <minsi>, %select_n3A_427, %reduce_min3A_428 [0] : vector<256x1024xi32> to vector<1024xi32>
    %broadcast_in_dim3A_430 = vector.shape_cast %reduce_min3A_429 : vector<1024xi32> to vector<1x1024xi32>
    %lt3A_431 = arith.cmpf olt, %broadcast_in_dim3A_418, %select_n3A_398 : vector<1x1024xf32>
    %select_n3A_432 = arith.select %lt3A_431, %broadcast_in_dim3A_430, %select_n3A_397 : vector<1x1024xi1>, vector<1x1024xi32>
    %select_n3A_433 = arith.select %lt3A_431, %broadcast_in_dim3A_418, %select_n3A_398 : vector<1x1024xi1>, vector<1x1024xf32>
    %lt3A_434 = arith.cmpf olt, %select_n3A_433, %convert_element_type3A_219 : vector<1x1024xf32>
    %select_n3A_435 = arith.select %lt3A_434, %select_n3A_432, %select_n3A_216 : vector<1x1024xi1>, vector<1x1024xi32>
    %select_n3A_436 = arith.select %lt3A_434, %select_n3A_433, %convert_element_type3A_219 : vector<1x1024xi1>, vector<1x1024xf32>
    %convert_element_type3A_437 = arith.truncf %select_n3A_436 : vector<1x1024xf32> to vector<1x1024xbf16>
    %convert_element_type3A_438 = arith.extf %convert_element_type3A_437 : vector<1x1024xbf16> to vector<1x1024xf32>
    %broadcast_in_dim3A_439 = arith.constant 0x7F800000 : f32
    %broadcast_in_dim3A_440 = vector.broadcast %broadcast_in_dim3A_439 : f32 to vector<1x1024xf32>
    %broadcast_in_dim3A_441 = arith.constant 0 : i32
    %broadcast_in_dim3A_442 = vector.broadcast %broadcast_in_dim3A_441 : i32 to vector<1x1024xi32>
    %get3A_443 = arith.constant 5632 : index
    %get3A_444 = arith.constant 0 : index
    %get3A_445 = vector.load %arg1[%get3A_443, %get3A_444] : memref<8192x32xf32, #tpu.memory_space<vmem>>, vector<512x32xf32>
    %convert_element_type3A_446 = arith.truncf %get3A_445 : vector<512x32xf32> to vector<512x32xbf16>
    %get3A_447 = arith.constant 5632 : index
    %get3A_448 = arith.constant 0 : index
    %get3A_449 = vector.load %arg4[%get3A_447, %get3A_448] : memref<8192x1xf32, #tpu.memory_space<vmem>>, vector<512x1xf32>
    %dot_general3A_450 = arith.constant dense<0.000000e+00> : vector<512x1024xf32>
    %dot_general3A_451 = tpu.matmul %convert_element_type3A_446, %convert_element_type3A, %dot_general3A_450 {dimension_numbers = #tpu.dot_dimension_numbers<[1], [0], [0], [1], [0, 0, 1, 1], [], []>, transpose_lhs_hint = false} : vector<512x32xbf16>, vector<32x1024xbf16>, vector<512x1024xf32> -> vector<512x1024xf32>
    %add3A_452 = vector.broadcast %get3A_8 : vector<1x1024xf32> to vector<512x1024xf32>
    %add3A_453 = vector.broadcast %get3A_449 : vector<512x1xf32> to vector<512x1024xf32>
    %add3A_454 = arith.addf %add3A_452, %add3A_453 : vector<512x1024xf32>
    %sub3A_455 = arith.subf %add3A_454, %dot_general3A_451 : vector<512x1024xf32>
    %max3A_456 = arith.constant 0.000000e+00 : f32
    %max3A_457 = vector.broadcast %max3A_456 : f32 to vector<512x1024xf32>
    %max3A_458 = arith.maximumf %sub3A_455, %max3A_457 : vector<512x1024xf32>
    %sqrt3A_459 = math.sqrt %max3A_458 : vector<512x1024xf32>
    %reduce_min3A_460 = arith.constant dense<0x7F800000> : vector<1024xf32>
    %reduce_min3A_461 = vector.multi_reduction <minimumf>, %sqrt3A_459, %reduce_min3A_460 [0] : vector<512x1024xf32> to vector<1024xf32>
    %broadcast_in_dim3A_462 = vector.shape_cast %reduce_min3A_461 : vector<1024xf32> to vector<1x1024xf32>
    %iota3A_463 = tpu.iota {dimensions = array<i32: 0>} : vector<512x1024xi32>
    %add3A_464 = arith.constant 5632 : i32
    %add3A_465 = vector.broadcast %add3A_464 : i32 to vector<512x1024xi32>
    %add3A_466 = arith.addi %iota3A_463, %add3A_465 : vector<512x1024xi32>
    %eq3A_467 = vector.broadcast %broadcast_in_dim3A_462 : vector<1x1024xf32> to vector<512x1024xf32>
    %eq3A_468 = arith.cmpf oeq, %sqrt3A_459, %eq3A_467 : vector<512x1024xf32>
    %jit3A_469 = arith.constant 1073741824 : i32
    %broadcast_in_dim3A_470 = vector.broadcast %jit3A_469 : i32 to vector<512x1024xi32>
    %select_n3A_471 = arith.select %eq3A_468, %add3A_466, %broadcast_in_dim3A_470 : vector<512x1024xi1>, vector<512x1024xi32>
    %reduce_min3A_472 = arith.constant dense<2147483647> : vector<1024xi32>
    %reduce_min3A_473 = vector.multi_reduction <minsi>, %select_n3A_471, %reduce_min3A_472 [0] : vector<512x1024xi32> to vector<1024xi32>
    %broadcast_in_dim3A_474 = vector.shape_cast %reduce_min3A_473 : vector<1024xi32> to vector<1x1024xi32>
    %lt3A_475 = arith.cmpf olt, %broadcast_in_dim3A_462, %broadcast_in_dim3A_440 : vector<1x1024xf32>
    %select_n3A_476 = arith.select %lt3A_475, %broadcast_in_dim3A_474, %broadcast_in_dim3A_442 : vector<1x1024xi1>, vector<1x1024xi32>
    %select_n3A_477 = arith.select %lt3A_475, %broadcast_in_dim3A_462, %broadcast_in_dim3A_440 : vector<1x1024xi1>, vector<1x1024xf32>
    %get3A_478 = arith.constant 6144 : index
    %get3A_479 = arith.constant 0 : index
    %get3A_480 = vector.load %arg1[%get3A_478, %get3A_479] : memref<8192x32xf32, #tpu.memory_space<vmem>>, vector<512x32xf32>
    %convert_element_type3A_481 = arith.truncf %get3A_480 : vector<512x32xf32> to vector<512x32xbf16>
    %get3A_482 = arith.constant 6144 : index
    %get3A_483 = arith.constant 0 : index
    %get3A_484 = vector.load %arg4[%get3A_482, %get3A_483] : memref<8192x1xf32, #tpu.memory_space<vmem>>, vector<512x1xf32>
    %dot_general3A_485 = arith.constant dense<0.000000e+00> : vector<512x1024xf32>
    %dot_general3A_486 = tpu.matmul %convert_element_type3A_481, %convert_element_type3A, %dot_general3A_485 {dimension_numbers = #tpu.dot_dimension_numbers<[1], [0], [0], [1], [0, 0, 1, 1], [], []>, transpose_lhs_hint = false} : vector<512x32xbf16>, vector<32x1024xbf16>, vector<512x1024xf32> -> vector<512x1024xf32>
    %add3A_487 = vector.broadcast %get3A_8 : vector<1x1024xf32> to vector<512x1024xf32>
    %add3A_488 = vector.broadcast %get3A_484 : vector<512x1xf32> to vector<512x1024xf32>
    %add3A_489 = arith.addf %add3A_487, %add3A_488 : vector<512x1024xf32>
    %sub3A_490 = arith.subf %add3A_489, %dot_general3A_486 : vector<512x1024xf32>
    %max3A_491 = arith.constant 0.000000e+00 : f32
    %max3A_492 = vector.broadcast %max3A_491 : f32 to vector<512x1024xf32>
    %max3A_493 = arith.maximumf %sub3A_490, %max3A_492 : vector<512x1024xf32>
    %sqrt3A_494 = math.sqrt %max3A_493 : vector<512x1024xf32>
    %reduce_min3A_495 = arith.constant dense<0x7F800000> : vector<1024xf32>
    %reduce_min3A_496 = vector.multi_reduction <minimumf>, %sqrt3A_494, %reduce_min3A_495 [0] : vector<512x1024xf32> to vector<1024xf32>
    %broadcast_in_dim3A_497 = vector.shape_cast %reduce_min3A_496 : vector<1024xf32> to vector<1x1024xf32>
    %iota3A_498 = tpu.iota {dimensions = array<i32: 0>} : vector<512x1024xi32>
    %add3A_499 = arith.constant 6144 : i32
    %add3A_500 = vector.broadcast %add3A_499 : i32 to vector<512x1024xi32>
    %add3A_501 = arith.addi %iota3A_498, %add3A_500 : vector<512x1024xi32>
    %eq3A_502 = vector.broadcast %broadcast_in_dim3A_497 : vector<1x1024xf32> to vector<512x1024xf32>
    %eq3A_503 = arith.cmpf oeq, %sqrt3A_494, %eq3A_502 : vector<512x1024xf32>
    %jit3A_504 = arith.constant 1073741824 : i32
    %broadcast_in_dim3A_505 = vector.broadcast %jit3A_504 : i32 to vector<512x1024xi32>
    %select_n3A_506 = arith.select %eq3A_503, %add3A_501, %broadcast_in_dim3A_505 : vector<512x1024xi1>, vector<512x1024xi32>
    %reduce_min3A_507 = arith.constant dense<2147483647> : vector<1024xi32>
    %reduce_min3A_508 = vector.multi_reduction <minsi>, %select_n3A_506, %reduce_min3A_507 [0] : vector<512x1024xi32> to vector<1024xi32>
    %broadcast_in_dim3A_509 = vector.shape_cast %reduce_min3A_508 : vector<1024xi32> to vector<1x1024xi32>
    %lt3A_510 = arith.cmpf olt, %broadcast_in_dim3A_497, %select_n3A_477 : vector<1x1024xf32>
    %select_n3A_511 = arith.select %lt3A_510, %broadcast_in_dim3A_509, %select_n3A_476 : vector<1x1024xi1>, vector<1x1024xi32>
    %select_n3A_512 = arith.select %lt3A_510, %broadcast_in_dim3A_497, %select_n3A_477 : vector<1x1024xi1>, vector<1x1024xf32>
    %get3A_513 = arith.constant 6656 : index
    %get3A_514 = arith.constant 0 : index
    %get3A_515 = vector.load %arg1[%get3A_513, %get3A_514] : memref<8192x32xf32, #tpu.memory_space<vmem>>, vector<512x32xf32>
    %convert_element_type3A_516 = arith.truncf %get3A_515 : vector<512x32xf32> to vector<512x32xbf16>
    %get3A_517 = arith.constant 6656 : index
    %get3A_518 = arith.constant 0 : index
    %get3A_519 = vector.load %arg4[%get3A_517, %get3A_518] : memref<8192x1xf32, #tpu.memory_space<vmem>>, vector<512x1xf32>
    %dot_general3A_520 = arith.constant dense<0.000000e+00> : vector<512x1024xf32>
    %dot_general3A_521 = tpu.matmul %convert_element_type3A_516, %convert_element_type3A, %dot_general3A_520 {dimension_numbers = #tpu.dot_dimension_numbers<[1], [0], [0], [1], [0, 0, 1, 1], [], []>, transpose_lhs_hint = false} : vector<512x32xbf16>, vector<32x1024xbf16>, vector<512x1024xf32> -> vector<512x1024xf32>
    %add3A_522 = vector.broadcast %get3A_8 : vector<1x1024xf32> to vector<512x1024xf32>
    %add3A_523 = vector.broadcast %get3A_519 : vector<512x1xf32> to vector<512x1024xf32>
    %add3A_524 = arith.addf %add3A_522, %add3A_523 : vector<512x1024xf32>
    %sub3A_525 = arith.subf %add3A_524, %dot_general3A_521 : vector<512x1024xf32>
    %max3A_526 = arith.constant 0.000000e+00 : f32
    %max3A_527 = vector.broadcast %max3A_526 : f32 to vector<512x1024xf32>
    %max3A_528 = arith.maximumf %sub3A_525, %max3A_527 : vector<512x1024xf32>
    %sqrt3A_529 = math.sqrt %max3A_528 : vector<512x1024xf32>
    %reduce_min3A_530 = arith.constant dense<0x7F800000> : vector<1024xf32>
    %reduce_min3A_531 = vector.multi_reduction <minimumf>, %sqrt3A_529, %reduce_min3A_530 [0] : vector<512x1024xf32> to vector<1024xf32>
    %broadcast_in_dim3A_532 = vector.shape_cast %reduce_min3A_531 : vector<1024xf32> to vector<1x1024xf32>
    %iota3A_533 = tpu.iota {dimensions = array<i32: 0>} : vector<512x1024xi32>
    %add3A_534 = arith.constant 6656 : i32
    %add3A_535 = vector.broadcast %add3A_534 : i32 to vector<512x1024xi32>
    %add3A_536 = arith.addi %iota3A_533, %add3A_535 : vector<512x1024xi32>
    %eq3A_537 = vector.broadcast %broadcast_in_dim3A_532 : vector<1x1024xf32> to vector<512x1024xf32>
    %eq3A_538 = arith.cmpf oeq, %sqrt3A_529, %eq3A_537 : vector<512x1024xf32>
    %jit3A_539 = arith.constant 1073741824 : i32
    %broadcast_in_dim3A_540 = vector.broadcast %jit3A_539 : i32 to vector<512x1024xi32>
    %select_n3A_541 = arith.select %eq3A_538, %add3A_536, %broadcast_in_dim3A_540 : vector<512x1024xi1>, vector<512x1024xi32>
    %reduce_min3A_542 = arith.constant dense<2147483647> : vector<1024xi32>
    %reduce_min3A_543 = vector.multi_reduction <minsi>, %select_n3A_541, %reduce_min3A_542 [0] : vector<512x1024xi32> to vector<1024xi32>
    %broadcast_in_dim3A_544 = vector.shape_cast %reduce_min3A_543 : vector<1024xi32> to vector<1x1024xi32>
    %lt3A_545 = arith.cmpf olt, %broadcast_in_dim3A_532, %select_n3A_512 : vector<1x1024xf32>
    %select_n3A_546 = arith.select %lt3A_545, %broadcast_in_dim3A_544, %select_n3A_511 : vector<1x1024xi1>, vector<1x1024xi32>
    %select_n3A_547 = arith.select %lt3A_545, %broadcast_in_dim3A_532, %select_n3A_512 : vector<1x1024xi1>, vector<1x1024xf32>
    %get3A_548 = arith.constant 7168 : index
    %get3A_549 = arith.constant 0 : index
    %get3A_550 = vector.load %arg1[%get3A_548, %get3A_549] : memref<8192x32xf32, #tpu.memory_space<vmem>>, vector<512x32xf32>
    %convert_element_type3A_551 = arith.truncf %get3A_550 : vector<512x32xf32> to vector<512x32xbf16>
    %get3A_552 = arith.constant 7168 : index
    %get3A_553 = arith.constant 0 : index
    %get3A_554 = vector.load %arg4[%get3A_552, %get3A_553] : memref<8192x1xf32, #tpu.memory_space<vmem>>, vector<512x1xf32>
    %dot_general3A_555 = arith.constant dense<0.000000e+00> : vector<512x1024xf32>
    %dot_general3A_556 = tpu.matmul %convert_element_type3A_551, %convert_element_type3A, %dot_general3A_555 {dimension_numbers = #tpu.dot_dimension_numbers<[1], [0], [0], [1], [0, 0, 1, 1], [], []>, transpose_lhs_hint = false} : vector<512x32xbf16>, vector<32x1024xbf16>, vector<512x1024xf32> -> vector<512x1024xf32>
    %add3A_557 = vector.broadcast %get3A_8 : vector<1x1024xf32> to vector<512x1024xf32>
    %add3A_558 = vector.broadcast %get3A_554 : vector<512x1xf32> to vector<512x1024xf32>
    %add3A_559 = arith.addf %add3A_557, %add3A_558 : vector<512x1024xf32>
    %sub3A_560 = arith.subf %add3A_559, %dot_general3A_556 : vector<512x1024xf32>
    %max3A_561 = arith.constant 0.000000e+00 : f32
    %max3A_562 = vector.broadcast %max3A_561 : f32 to vector<512x1024xf32>
    %max3A_563 = arith.maximumf %sub3A_560, %max3A_562 : vector<512x1024xf32>
    %sqrt3A_564 = math.sqrt %max3A_563 : vector<512x1024xf32>
    %reduce_min3A_565 = arith.constant dense<0x7F800000> : vector<1024xf32>
    %reduce_min3A_566 = vector.multi_reduction <minimumf>, %sqrt3A_564, %reduce_min3A_565 [0] : vector<512x1024xf32> to vector<1024xf32>
    %broadcast_in_dim3A_567 = vector.shape_cast %reduce_min3A_566 : vector<1024xf32> to vector<1x1024xf32>
    %iota3A_568 = tpu.iota {dimensions = array<i32: 0>} : vector<512x1024xi32>
    %add3A_569 = arith.constant 7168 : i32
    %add3A_570 = vector.broadcast %add3A_569 : i32 to vector<512x1024xi32>
    %add3A_571 = arith.addi %iota3A_568, %add3A_570 : vector<512x1024xi32>
    %eq3A_572 = vector.broadcast %broadcast_in_dim3A_567 : vector<1x1024xf32> to vector<512x1024xf32>
    %eq3A_573 = arith.cmpf oeq, %sqrt3A_564, %eq3A_572 : vector<512x1024xf32>
    %jit3A_574 = arith.constant 1073741824 : i32
    %broadcast_in_dim3A_575 = vector.broadcast %jit3A_574 : i32 to vector<512x1024xi32>
    %select_n3A_576 = arith.select %eq3A_573, %add3A_571, %broadcast_in_dim3A_575 : vector<512x1024xi1>, vector<512x1024xi32>
    %reduce_min3A_577 = arith.constant dense<2147483647> : vector<1024xi32>
    %reduce_min3A_578 = vector.multi_reduction <minsi>, %select_n3A_576, %reduce_min3A_577 [0] : vector<512x1024xi32> to vector<1024xi32>
    %broadcast_in_dim3A_579 = vector.shape_cast %reduce_min3A_578 : vector<1024xi32> to vector<1x1024xi32>
    %lt3A_580 = arith.cmpf olt, %broadcast_in_dim3A_567, %select_n3A_547 : vector<1x1024xf32>
    %select_n3A_581 = arith.select %lt3A_580, %broadcast_in_dim3A_579, %select_n3A_546 : vector<1x1024xi1>, vector<1x1024xi32>
    %select_n3A_582 = arith.select %lt3A_580, %broadcast_in_dim3A_567, %select_n3A_547 : vector<1x1024xi1>, vector<1x1024xf32>
    %get3A_583 = arith.constant 7680 : index
    %get3A_584 = arith.constant 0 : index
    %get3A_585 = vector.load %arg1[%get3A_583, %get3A_584] : memref<8192x32xf32, #tpu.memory_space<vmem>>, vector<512x32xf32>
    %convert_element_type3A_586 = arith.truncf %get3A_585 : vector<512x32xf32> to vector<512x32xbf16>
    %get3A_587 = arith.constant 7680 : index
    %get3A_588 = arith.constant 0 : index
    %get3A_589 = vector.load %arg4[%get3A_587, %get3A_588] : memref<8192x1xf32, #tpu.memory_space<vmem>>, vector<512x1xf32>
    %dot_general3A_590 = arith.constant dense<0.000000e+00> : vector<512x1024xf32>
    %dot_general3A_591 = tpu.matmul %convert_element_type3A_586, %convert_element_type3A, %dot_general3A_590 {dimension_numbers = #tpu.dot_dimension_numbers<[1], [0], [0], [1], [0, 0, 1, 1], [], []>, transpose_lhs_hint = false} : vector<512x32xbf16>, vector<32x1024xbf16>, vector<512x1024xf32> -> vector<512x1024xf32>
    %add3A_592 = vector.broadcast %get3A_8 : vector<1x1024xf32> to vector<512x1024xf32>
    %add3A_593 = vector.broadcast %get3A_589 : vector<512x1xf32> to vector<512x1024xf32>
    %add3A_594 = arith.addf %add3A_592, %add3A_593 : vector<512x1024xf32>
    %sub3A_595 = arith.subf %add3A_594, %dot_general3A_591 : vector<512x1024xf32>
    %max3A_596 = arith.constant 0.000000e+00 : f32
    %max3A_597 = vector.broadcast %max3A_596 : f32 to vector<512x1024xf32>
    %max3A_598 = arith.maximumf %sub3A_595, %max3A_597 : vector<512x1024xf32>
    %sqrt3A_599 = math.sqrt %max3A_598 : vector<512x1024xf32>
    %reduce_min3A_600 = arith.constant dense<0x7F800000> : vector<1024xf32>
    %reduce_min3A_601 = vector.multi_reduction <minimumf>, %sqrt3A_599, %reduce_min3A_600 [0] : vector<512x1024xf32> to vector<1024xf32>
    %broadcast_in_dim3A_602 = vector.shape_cast %reduce_min3A_601 : vector<1024xf32> to vector<1x1024xf32>
    %iota3A_603 = tpu.iota {dimensions = array<i32: 0>} : vector<512x1024xi32>
    %add3A_604 = arith.constant 7680 : i32
    %add3A_605 = vector.broadcast %add3A_604 : i32 to vector<512x1024xi32>
    %add3A_606 = arith.addi %iota3A_603, %add3A_605 : vector<512x1024xi32>
    %eq3A_607 = vector.broadcast %broadcast_in_dim3A_602 : vector<1x1024xf32> to vector<512x1024xf32>
    %eq3A_608 = arith.cmpf oeq, %sqrt3A_599, %eq3A_607 : vector<512x1024xf32>
    %jit3A_609 = arith.constant 1073741824 : i32
    %broadcast_in_dim3A_610 = vector.broadcast %jit3A_609 : i32 to vector<512x1024xi32>
    %select_n3A_611 = arith.select %eq3A_608, %add3A_606, %broadcast_in_dim3A_610 : vector<512x1024xi1>, vector<512x1024xi32>
    %reduce_min3A_612 = arith.constant dense<2147483647> : vector<1024xi32>
    %reduce_min3A_613 = vector.multi_reduction <minsi>, %select_n3A_611, %reduce_min3A_612 [0] : vector<512x1024xi32> to vector<1024xi32>
    %broadcast_in_dim3A_614 = vector.shape_cast %reduce_min3A_613 : vector<1024xi32> to vector<1x1024xi32>
    %lt3A_615 = arith.cmpf olt, %broadcast_in_dim3A_602, %select_n3A_582 : vector<1x1024xf32>
    %select_n3A_616 = arith.select %lt3A_615, %broadcast_in_dim3A_614, %select_n3A_581 : vector<1x1024xi1>, vector<1x1024xi32>
    %select_n3A_617 = arith.select %lt3A_615, %broadcast_in_dim3A_602, %select_n3A_582 : vector<1x1024xi1>, vector<1x1024xf32>
    %lt3A_618 = arith.cmpf olt, %select_n3A_617, %convert_element_type3A_438 : vector<1x1024xf32>
    %select_n3A_619 = arith.select %lt3A_618, %select_n3A_616, %select_n3A_435 : vector<1x1024xi1>, vector<1x1024xi32>
    %swap3A = arith.constant 0 : index
    %swap3A_620 = arith.constant 0 : index
    %swap3A_621 = arith.constant 0 : index
    %swap3A_622 = vector.load %arg5[%swap3A, %swap3A_620, %swap3A_621] : memref<1x1x1024xi32, #tpu.memory_space<vmem>>, vector<1x1x1024xi32>
    %swap3A_623 = vector.shape_cast %swap3A_622 : vector<1x1x1024xi32> to vector<1x1024xi32>
    %swap3A_624 = vector.shape_cast %select_n3A_619 : vector<1x1024xi32> to vector<1x1x1024xi32>
    tpu.vector_store %arg5[%swap3A, %swap3A_620, %swap3A_621], %swap3A_624 {strides = array<i32>} : memref<1x1x1024xi32, #tpu.memory_space<vmem>>, vector<1x1x1024xi32>,
    return
  }
  func.func @transform_0(%arg0: i32) -> (i32, i32) {
    %c0_i32 = arith.constant 0 : i32
    %c0_i32_0 = arith.constant 0 : i32
    %c0_i32_1 = arith.constant 0 : i32
    return %c0_i32, %c0_i32_0 : i32, i32
  }
  func.func @transform_1(%arg0: i32) -> (i32, i32, i32) {
    %c0_i32 = arith.constant 0 : i32
    %c0_i32_0 = arith.constant 0 : i32
    %c0_i32_1 = arith.constant 0 : i32
    return %arg0, %c0_i32, %c0_i32_0 : i32, i32, i32
  }
  func.func @transform_2(%arg0: i32) -> (i32, i32, i32) {
    %c0_i32 = arith.constant 0 : i32
    %c0_i32_0 = arith.constant 0 : i32
    %c0_i32_1 = arith.constant 0 : i32
    return %arg0, %c0_i32, %c0_i32_0 : i32, i32, i32
  }
  func.func @transform_3(%arg0: i32) -> (i32, i32) {
    %c0_i32 = arith.constant 0 : i32
    %c0_i32_0 = arith.constant 0 : i32
    %c0_i32_1 = arith.constant 0 : i32
    return %c0_i32, %c0_i32_0 : i32, i32
  }
  func.func @transform_4(%arg0: i32) -> (i32, i32, i32) {
    %c0_i32 = arith.constant 0 : i32
    %c0_i32_0 = arith.constant 0 : i32
    %c0_i32_1 = arith.constant 0 : i32
    return %arg0, %c0_i32, %c0_i32_0 : i32, i32, i32
  }
}

</mosaic_0001>

<sc_bundles>
// kernel: kernel.4.cloned.1.call-start
scs
__scs_entry_jumppad:
0x0: {  	(pc) =	sbr.rel $0x88, $3  }
0x1: {  	(tag) =	ssettag $0x0;
	lr =	simm.s32 $0x1  }
0x2: {  	[smem:$0x3F9F] =	sst lr;
	_ =	strace $0xD0000000  }
0x3: {  	_ = 	snop  }
0x4: {  	_ = 	snop  }
0x5: {  	_ = 	snop  }
0x6: {  	_ = 	snop  }
0x7: {  	_ = 	snop  }
__scs_overlays_trampoline_lowered:
0x8: {  	[smem:$0x3FAE] =	sst s0  }
0x9: {  	[smem:$0x3FAF] =	sst s1  }
0xa: {  	[smem:$0x3FB0] =	sst s2  }
0xb: {  	[smem:$0x3FB1] =	sst s3  }
0xc: {  	[smem:$0x3FB2] =	sst s4  }
0xd: {  	[smem:$0x3FB3] =	sst s5  }
0xe: {  	[smem:$0x3FB4] =	sst s6  }
0xf: {  	[smem:$0x3FB5] =	sst s7  }
0x10: {  	[smem:$0x3FB6] =	sst s8  }
0x11: {  	[smem:$0x3FB7] =	sst s9;
	s0 =	simm.s32 @!p0 $0x0  }
0x12: {  	s1 =	sld [smem:$0x3F9D];
	s0 =	simm.s32 @p0 $0x1  }
0x13: {  	[smem:$0x3FB8] =	sst s0;
	s0 =	simm.s32 @!p1 $0x0  }
0x14: {  	s2 =	sld [smem:$0x3F9C];
	s0 =	simm.s32 @p1 $0x1  }
0x15: {  	[smem:$0x3FB9] =	sst s0;
	s0 =	simm.s32 @!p2 $0x0  }
0x16: {  	s3 =	sld [smem:$0x3FDB];
	s0 =	simm.s32 @p2 $0x1  }
0x17: {  	s4 =	simm.s32 $0x1BF5;
	[smem:$0x3FBB] =	sst s0  }
0x18: {  	s0 =	sld [smem:$0x3F9E];
	_ =	swait.ge [sflag:s4], $0x0  }
0x19: {  	s7 =	sld [smem:$0x3F9F]  }
0x1a: {  	s8 =	sadd.s32 $0xFFFFE003, lr  }
0x1b: {  	s9 =	sadd.s32 $0xFFFFFEF7, lr;
	s5 =	simm.s32 $0xFFFFFFFF;
	p2 =	slt.u32 s8, $0xFFFFF086  }
0x1c: {  	p1 =	slt.u32 s9, $0xF7A;
	s5 =	simm.s32 @!p2 $0x0  }
0x1d: {  	s5 =	simm.s32 @p1 $0x1;
	p0 =	seq.s32 s7, s2  }
0x1e: {  	s7 =	smul.u32 @!p0 $0xF7A, s2;
	p2 =	seq.s32 @!p0 s5, $0x0  }
0x1f: {  	s9 =	smul.u32 $0xF7A, s1;
	s8 =	simm.s32 @!p0 $0x1BF5;
	p2 =	por !p2, p0  }
0x20: {  	[sflag:s8] =	ssyncset.s32 @!p0 $0xFFFFF086;
	s6 =	sadd.s32 @!p0 s3, s7;
	s7 =	simm.s32 @!p0 $0x108  }
0x21: {  	s3 =	sadd.s32 s3, s9;
	s6 =	sadd.s32 @!p0 $0x88, s6;
	s7 =	simm.s32 @p2 $0x1082  }
0x22: {  	[simem:s7], [sflag:s8] =	dma.local @!p0 [hbm:s6], $0xF7A  }
0x23: {  	s9 =	sor.u32 $0xD0000000, s2;
	s6 =	simm.s32 $0x108;
	_ =	swait.ge @!p0 [sflag:s8], $0x0  }
0x24: {  	s3 =	sadd.s32 $0x88, s3;
	s6 =	simm.s32 @!p1 $0x1082;
	[sflag:s4] =	ssyncset.s32 $0xFFFFF086  }
0x25: {  	[simem:s6], [sflag:s4] =	dma.local [hbm:s3], $0xF7A  }
0x26: {  	[smem:$0x3F9F] =	sst s1;
	(tag) =	ssettag s2;
	_ =	strace s9  }
0x27: {  	s1 =	sld [smem:$0x3FAF]  }
0x28: {  	s2 =	sld [smem:$0x3FB0]  }
0x29: {  	s4 =	sld [smem:$0x3FB2]  }
0x2a: {  	p0 =	seq.s32 s5, $0x0;
	s5 =	sld [smem:$0x3FB3]  }
0x2b: {  	s6 =	sld [smem:$0x3FB4]  }
0x2c: {  	s7 =	sld [smem:$0x3FB5]  }
0x2d: {  	s3 =	simm.s32 $0x108;
	s8 =	sld [smem:$0x3FB6]  }
0x2e: {  	s3 =	simm.s32 @!p0 $0x1082;
	s9 =	sld [smem:$0x3FB7]  }
0x2f: {  	lr =	sadd.s32 s0, s3;
	s0 =	sld [smem:$0x3FAE]  }
0x30: {  	s3 =	sld [smem:$0x3FB1]  }
0x31: {  	[smem:$0x3FBA] =	sst s10  }
0x32: {  	s10 =	sld [smem:$0x3FB8];
	_ =	sdelay $0x3  }
0x33: {  	p0 =	seq.s32 s10, $0x1;
	s10 =	sld [smem:$0x3FBA];
	_ =	sdelay $0x3  }
0x34: {  	[smem:$0x3FBA] =	sst s10  }
0x35: {  	s10 =	sld [smem:$0x3FB9];
	_ =	sdelay $0x3  }
0x36: {  	p1 =	seq.s32 s10, $0x1;
	s10 =	sld [smem:$0x3FBA];
	_ =	sdelay $0x3  }
0x37: {  	[smem:$0x3FBA] =	sst s10  }
0x38: {  	s10 =	sld [smem:$0x3FBB]  }
0x39: {  	_ = 	snop;
	(pc) =	sbr.ind lr, $3  }
0x3a: {  	_ = 	snop  }
0x3b: {  	_ = 	snop  }
0x3c: {  	p2 =	seq.s32 s10, $0x1;
	s10 =	sld [smem:$0x3FBA]  }
0x3d: {  	_ =	shalt  }
0x3e: {  	_ =	shalt  }
0x3f: {  	_ =	shalt  }
0x40: {  	_ =	shalt  }
0x41: {  	_ =	shalt  }
0x42: {  	_ =	shalt  }
0x43: {  	_ =	shalt  }
0x44: {  	_ =	shalt  }
0x45: {  	_ =	shalt  }
0x46: {  	_ =	shalt  }
0x47: {  	_ =	shalt  }
0x48: {  	_ =	shalt  }
0x49: {  	_ =	shalt  }
0x4a: {  	_ =	shalt  }
0x4b: {  	_ =	shalt  }
0x4c: {  	_ =	shalt  }
0x4d: {  	_ =	shalt  }
0x4e: {  	_ =	shalt  }
0x4f: {  	_ =	shalt  }
0x50: {  	_ =	shalt  }
0x51: {  	_ =	shalt  }
0x52: {  	_ =	shalt  }
0x53: {  	_ =	shalt  }
0x54: {  	_ =	shalt  }
0x55: {  	_ =	shalt  }
0x56: {  	_ =	shalt  }
0x57: {  	_ =	shalt  }
0x58: {  	_ =	shalt  }
0x59: {  	_ =	shalt  }
0x5a: {  	_ =	shalt  }
0x5b: {  	_ =	shalt  }
0x5c: {  	_ =	shalt  }
0x5d: {  	_ =	shalt  }
0x5e: {  	_ =	shalt  }
0x5f: {  	_ =	shalt  }
0x60: {  	_ =	shalt  }
0x61: {  	_ =	shalt  }
0x62: {  	_ =	shalt  }
0x63: {  	_ =	shalt  }
0x64: {  	_ =	shalt  }
0x65: {  	_ =	shalt  }
0x66: {  	_ =	shalt  }
0x67: {  	_ =	shalt  }
0x68: {  	_ =	shalt  }
0x69: {  	_ =	shalt  }
0x6a: {  	_ =	shalt  }
0x6b: {  	_ =	shalt  }
0x6c: {  	_ =	shalt  }
0x6d: {  	_ =	shalt  }
0x6e: {  	_ =	shalt  }
0x6f: {  	_ =	shalt  }
0x70: {  	_ =	shalt  }
0x71: {  	_ =	shalt  }
0x72: {  	_ =	shalt  }
0x73: {  	_ =	shalt  }
0x74: {  	_ =	shalt  }
0x75: {  	_ =	shalt  }
0x76: {  	_ =	shalt  }
0x77: {  	_ =	shalt  }
0x78: {  	_ =	shalt  }
0x79: {  	_ =	shalt  }
0x7a: {  	_ =	shalt  }
0x7b: {  	_ =	shalt  }
0x7c: {  	_ =	shalt  }
0x7d: {  	_ =	shalt  }
0x7e: {  	_ =	shalt  }
0x7f: {  	_ =	shalt  }
0x80: {  	_ =	shalt  }
0x81: {  	_ =	shalt  }
0x82: {  	_ =	shalt  }
0x83: {  	_ =	shalt  }
0x84: {  	_ =	shalt  }
0x85: {  	_ =	shalt  }
0x86: {  	_ =	shalt  }
0x87: {  	_ =	shalt  }
.Lfunc_end0:
.L_simem_size_0:
called_computation_lowered:
.L_overlay_start_0:
0x88: {  	s2 =	sld [smem:$0x3FD9]  }
0x89: {  	s3 =	sld [smem:$0x3FFE];
	_ =	sdelay $0x1  }
0x8a: {  	s1 =	srdreg.scid  }
0x8b: {  	s0 =	sand.u32 $0x1, s1  }
0x8c: {  	s17 =	sshll.u32 s0, $0xA;
	s2 =	sadd.s32 s3, s2  }
0x8d: {  	s2 =	sadd.s32 s2, s17  }
0x8e: {  	[smem:$0x3FC6] =	sst s2  }
0x8f: {  	_ = 	snop  }
0x90: {  	s2 =	sld [smem:$0x3FD0];
	(tm) =	ssettm $0x1  }
0x91: {  	s18 =	sld [smem:$0x3FFB];
	_ =	sdelay $0x3  }
0x92: {  	_ =	strace s18  }
0x93: {  	s3 =	sld [smem:$0x3FFC];
	_ =	sdelay $0x3  }
0x94: {  	_ =	strace s3  }
0x95: {  	s3 =	sld [smem:$0x3FFD];
	_ =	sdelay $0x3  }
0x96: {  	_ =	strace s3  }
0x97: {  	_ =	strace $0x8FFFFFFF  }
0x98: {  	s19 =	sld [smem:$0x3FDB];
	_ =	sdelay $0x1  }
0x99: {  	s4 =	simm.s32 $_scs_section_size  }
0x9a: {  	s5 =	simm.s32 $_size__tile_overlayer_lowered;
	s6 =	simm.s32 $_tile_overlayer_lowered  }
0x9b: {  	s22 =	simm.s32 $0x1BFF;
	s21 =	sshll.u32 s6, $0x1;
	s3 =	sadd.s32 s4, s19  }
0x9c: {  	s7 =	simm.s32 $0x0;
	s20 =	sshll.u32 s5, $0x1;
	s5 =	sadd.s32 s21, s3  }
0x9d: {  	[timem:s7], [sflag:s22] =	dma.local [hbm:s5], s20  }
0x9e: {  	_ =	swait.ge [sflag:s22], s20  }
0x9f: {  	s4 =	ssub.s32 $0x0, s20;
	[sflag:s22] =	ssyncset.done $0x0  }
0xa0: {  	[sflag:s22] =	ssyncadd.s32 s4;
	_ =	sdelay $0x1  }
0xa1: {  	s23 =	simm.s32 $0x1B8B  }
0xa2: {  	_ =	swait.ge [sflag:s23], $0x1  }
0xa3: {  	[sflag:s23] =	ssyncset.done $0x0  }
0xa4: {  	s25 =	simm.s32 $0x1B8E;
	s24 =	sld [smem:$0x3FFE];
	[sflag:s23] =	ssyncadd.s32 $0xFFFFFFFF  }
0xa5: {  	s26 =	simm.s32 $execute0_lowered;
	[smem:$0x3FD2] =	sst s25  }
0xa6: {  	s5 =	sshll.u32 s26, $0x1;
	_ =	strace $0x80000046;
	[dreg:$0x1] =	wrdreg $0xFFFFFFFF  }
0xa7: {  	s28 =	simm.s32 $_size_execute0_lowered;
	s3 =	sadd.s32 s3, s5;
	[dreg:$0x0] =	wrdreg $0x0  }
0xa8: {  	s5 =	sshll.u32 s28, $0x1;
	[dreg:$0x2] =	wrdreg s3  }
0xa9: {  	[dreg:$0x3] =	wrdreg s5  }
0xaa: {  	[dreg:$0x4] =	wrdreg $0xC0  }
0xab: {  	_ =	task [dreg:s7], $0x5FFFF  }
0xac: {  	[dreg:$0x1] =	wrdreg $0xFFFFFFFF  }
0xad: {  	[dreg:$0x0] =	wrdreg $0x60  }
0xae: {  	[dreg:$0x2] =	wrdreg s24  }
0xaf: {  	[dreg:$0x3] =	wrdreg s2  }
0xb0: {  	[dreg:$0x4] =	wrdreg $0x9  }
0xb1: {  	_ =	task.clear_ibuf [dreg:s7], $0x5FFFF;
	_ =	strace $0x90000046  }
0xb2: {  	s29 =	simm.s32 $0x9;
	_ =	strace $0x80000048  }
0xb3: {  	_ =	swait.ge [sflag:s29], $0x1  }
0xb4: {  	[sflag:s29] =	ssyncadd.s32 $0xFFFFFFFF  }
0xb5: {  	_ =	strace $0x90000048  }
0xb6: {  	_ =	sfence  }
0xb7: {  	s30 =	sld [smem:$0x0];
	_ =	sdelay $0x2  }
0xb8: {  	s31 =	sshll.u32 s1, $0xD;
	s1 =	sshrl.u32 s1, $0x2  }
0xb9: {  	s3 =	sand.u32 $0x4000, s31;
	s1 =	sadd.s32 s1, s30  }
0xba: {  	s0 =	sor.u32 s3, s0;
	s1 =	sshll.u32 s1, $0x11  }
0xbb: {  	s0 =	sor.u32 s1, s0  }
0xbc: {  	s0 =	sadd.s32 $0x8F2B, s0  }
0xbd: {  	[sflag:s0] =	ssyncadd.remote.s32 $0x1  }
0xbe: {  	_ =	sfence.sel $0xFFFF  }
0xbf: {  	[dreg:$0x0] =	wrdreg $0xFFFFFFFF;
	(pc) =	sbr.abs _section_cstart, $3  }
0xc0: {  	[dreg:$0x1] =	wrdreg $0xFFFFFFFF  }
0xc1: {  	_ =	task.clear_ibuf [dreg:s7], $0x2FFFF;
	_ =	strace $0x9FFFFFFF  }
0xc2: {  	(tm) =	ssettm $0x7FFFFFFF  }
0xc3: {  	_ =	shalt  }
tec
execute0_lowered:
.L_overlay_start_1:
0x0: {  	(tag) =	ssettag $0x1  }
0x1: {  	s1 =	srdreg.scid  }
0x2: {  	s0 =	stileid.u32;
	s6 =	sand.u32 $0x1, s1  }
0x3: {  	s2 =	rddreg [dreg:$0x0];
	s30 =	sshll.u32 s0, $0xA;
	s3 =	sshll.u32 s6, $0x9  }
0x4: {  	s8 =	rddreg [dreg:$0x1];
	s9 =	sor.u32 s3, s30  }
0x5: {  	s1 =	rddreg [dreg:$0x2];
	s3 =	simm.s32 $0x0;
	s4 =	sshrl.u32 s9, $0x3  }
0x6: {  	s10 =	ssub.s32 $0x2, s6;
	[smem:$0x7FF] =	sst s3;
	s4 =	sadd.s32 s4, s2  }
0x7: {  	_ =	strace $0x80000047;
	s5 =	sadd.s32 $0x8000, s4;
	s4 =	simm.s32 $0x2  }
0x8: {  	[tilespmem:s3], [sflag:$0x2] =	stream.linear.gather [hbm4b:s5+s3], $0x200, $0x38;
	[tilespmem:$0x4200] =	vst v63  }
0x9: {  	s11 =	sshrl.u32 s10, $0x1;
	_ =	swait.ge [sflag:s4], $0x200  }
0xa: {  	s7 =	simm.s32 $0x1;
	s10 =	ssub.s32 s10, s11;
	[sflag:s4] =	ssyncset.done $0x0  }
0xb: {  	s6 =	simm.s32 $0x200;
	s31 =	smax.u32 s10, $0x1;
	[sflag:s4] =	ssyncadd.s32 $0xFFFFFE00  }
0xc: {  	[tilespmem:s6], [sflag:$0x1] =	stream.indirect.gather [hbm4b:s2+s6], $0x20, s3, s6, $0xb8;
	[tilespmem:$0x4200] =	vst v63  }
0xd: {  	p0 =	sne.s32 s31, $0x1;
	_ =	swait.ge [sflag:s7], $0x4000  }
.Ltmp0:
0xe: {  	s9 =	sshll.u32 s9, $0x2;
	[sflag:s7] =	ssyncset.done $0x0;
	(pc) =	sbr.rel @!p0 .LBB2_2-.Ltmp0, $4  }
0xf: {  	s8 =	sadd.s32 s8, s9;
	[sflag:s7] =	ssyncadd.s32 $0xFFFFC000  }
0x10: {  	[hbm4b:s8+s3] =	stream.linear.scatter [tilespmem:s6], [sflag:$0x2], $0x4000, $0x38;
	[tilespmem:$0x4200] =	vst v63  }
0x11: {  	_ =	swait.ge [sflag:s4], $0x4000  }
0x12: {  	s9 =	sadd.s32 $0xFFFFFFFF, s31;
	[sflag:s4] =	ssyncset.done $0x0  }
.LBB2_1:
0x13: {  	p0 =	sne.s32 s9, $0x1;
	s9 =	sadd.s32 $0xFFFFFFFF, s9;
	[sflag:s4] =	ssyncadd.s32 $0xFFFFC000  }
0x14: {  	[tilespmem:s3], [sflag:$0x2] =	stream.linear.gather [hbm4b:s5+s3], $0x200, $0x38;
	[tilespmem:$0x4200] =	vst v63  }
0x15: {  	_ =	swait.ge [sflag:s4], $0x200  }
0x16: {  	[sflag:s4] =	ssyncset.done $0x0  }
0x17: {  	[sflag:s4] =	ssyncadd.s32 $0xFFFFFE00  }
0x18: {  	[tilespmem:s6], [sflag:$0x1] =	stream.indirect.gather [hbm4b:s2+s6], $0x20, s3, s6, $0xb8;
	[tilespmem:$0x4200] =	vst v63  }
0x19: {  	_ =	swait.ge [sflag:s7], $0x4000  }
.Ltmp1:
0x1a: {  	[sflag:s7] =	ssyncset.done $0x0;
	(pc) =	sbr.rel @p0 .LBB2_1-.Ltmp1, $4  }
0x1b: {  	[sflag:s7] =	ssyncadd.s32 $0xFFFFC000  }
0x1c: {  	[hbm4b:s8+s3] =	stream.linear.scatter [tilespmem:s6], [sflag:$0x2], $0x4000, $0x38;
	[tilespmem:$0x4200] =	vst v63  }
0x1d: {  	_ =	swait.ge [sflag:s4], $0x4000  }
0x1e: {  	[sflag:s4] =	ssyncset.done $0x0  }
.LBB2_2:
0x1f: {  	[sflag:s4] =	ssyncadd.s32 $0xFFFFC000  }
0x20: {  	_ =	sfence.sel $0x180000  }
0x21: {  	[bflag:$0x0] =	sbarrier.arrive $0xFFFF  }
0x22: {  	p0 =	sne.s32 s0, $0x0;
	_ =	strace $0x90000047  }
0x23: {  	s0 =	sadd.s32 @!p0 $0x100000, s1;
	[bflag:$0x2] =	sbarrier.arrive $0xFFFF  }
0x24: {  	[sflag:s0] =	ssyncadd.tile.s32 @!p0 $0x1;
	_ =	shalt  }
.Lfunc_end2:
_tile_overlayer_lowered:
.L_overlay_start_2:
0x25: {  	(tag) =	ssettag $0x2  }
0x26: {  	s0 =	rddreg [dreg:$0x0];
	s2 =	stileid.u32  }
0x27: {  	s1 =	rddreg [dreg:$0x1];
	p0 =	sne.s32 s2, $0x0  }
0x28: {  	s3 =	rddreg [dreg:$0x2];
	[bflag:$0x3] =	sbarrier.arrive $0xFFFF;
	s2 =	simm.s32 @!p0 $0x1C02  }
0x29: {  	[timem:s3], [sflag:s2] =	dma.local @!p0 [hbm:s0], s1  }
0x2a: {  	s0 =	simm.s32 @!p0 $0x2  }
0x2b: {  	_ =	swait.ge @!p0 [sflag:s0], s1  }
0x2c: {  	s1 =	ssub.s32 @!p0 $0x0, s1;
	[sflag:s0] =	ssyncset.done @!p0 $0x0  }
0x2d: {  	[sflag:s0] =	ssyncadd.s32 @!p0 s1  }
0x2e: {  	[bflag:$0x3] =	sbarrier.arrive $0xFFFF  }
0x2f: {  	_ =	shalt  }

</sc_bundles>
